<compile_context>
chip_gen: v7x
topology: tpu7x:2x2x1
jax: 0.10.2.dev20260603
libtpu: 0.0.44.dev20260713+nightly
codegen_flags: <defaults>
</compile_context>

<pallas_src>
import jax
import jax.numpy as jnp
from jax import lax
from jax.experimental import pallas as pl
from jax.experimental.pallas import tpu as pltpu
from jax.experimental.pallas import tpu_sc as plsc

B = 4096
F = 512
D = 128
K = 64
REG = 0.01

_INT_MIN = -2147483648


_NC = 2
_NS = 16
_NW = _NC * _NS
_BPW = B // _NW


def _sc_gather_body(ub_hbm, pb_hbm, nb_hbm, uemb_hbm, iemb_hbm,
                    eu_out, ep_out, en_out,
                    idx_u, idx_p, idx_n, rows_u, rows_p, rows_n,
                    sem_u, sem_p, sem_n):
    wid = lax.axis_index("s") * _NC + lax.axis_index("c")
    base = wid * _BPW
    pltpu.sync_copy(ub_hbm.at[pl.ds(base, _BPW)], idx_u)
    pltpu.sync_copy(pb_hbm.at[pl.ds(base, _BPW)], idx_p)
    pltpu.sync_copy(nb_hbm.at[pl.ds(base, _BPW)], idx_n)
    cu = pltpu.async_copy(uemb_hbm.at[idx_u], rows_u, sem_u)
    cp = pltpu.async_copy(iemb_hbm.at[idx_p], rows_p, sem_p)
    cn = pltpu.async_copy(iemb_hbm.at[idx_n], rows_n, sem_n)
    cu.wait()
    pltpu.sync_copy(rows_u, eu_out.at[pl.ds(base, _BPW)])
    cp.wait()
    pltpu.sync_copy(rows_p, ep_out.at[pl.ds(base, _BPW)])
    cn.wait()
    pltpu.sync_copy(rows_n, en_out.at[pl.ds(base, _BPW)])


def _sc_gather(user_batch, pos_item_batch, neg_item_batch, user_emb, item_emb):
    out = jax.ShapeDtypeStruct((B, D), jnp.float32)
    f = pl.kernel(
        _sc_gather_body,
        out_type=(out, out, out),
        mesh=plsc.VectorSubcoreMesh(core_axis_name="c", subcore_axis_name="s"),
        scratch_types=(
            pltpu.VMEM((_BPW,), jnp.int32),
            pltpu.VMEM((_BPW,), jnp.int32),
            pltpu.VMEM((_BPW,), jnp.int32),
            pltpu.VMEM((_BPW, D), jnp.float32),
            pltpu.VMEM((_BPW, D), jnp.float32),
            pltpu.VMEM((_BPW, D), jnp.float32),
            pltpu.SemaphoreType.DMA,
            pltpu.SemaphoreType.DMA,
            pltpu.SemaphoreType.DMA,
        ),
    )
    return f(user_batch, pos_item_batch, neg_item_batch, user_emb, item_emb)



_BLK = 1024
_GRID = B // _BLK


def _tc_body(tau_ref, uf_ref, pf_ref, nf_ref, wu_ref, wi_ref, tri_ref,
             u_ref, p_ref, n_ref, sq_ref, acc_ref):
    i = pl.program_id(0)

    uf = uf_ref[...]
    bits = lax.bitcast_convert_type(uf, jnp.int32)
    k = jnp.where(bits >= 0, bits, jnp.int32(_INT_MIN) - bits)

    s = jnp.full((_BLK,), jnp.int32(_INT_MIN))
    for bit in range(31, -1, -1):
        cand = (jnp.zeros((_BLK,), jnp.int32) if bit == 31
                else s | jnp.int32(1 << bit))
        cnt = jnp.sum((k >= cand[:, None]).astype(jnp.float32), axis=1)
        s = jnp.where(cnt >= K, cand, s)
    t = s[:, None]

    gt = k > t
    eq = k == t
    cnt_gt = jnp.sum(gt.astype(jnp.float32), axis=1, keepdims=True)
    r = jnp.float32(K) - cnt_gt

    prefix = jnp.dot(eq.astype(jnp.bfloat16), tri_ref[...],
                     preferred_element_type=jnp.float32)
    mask = gt | (eq & (prefix <= r))

    mtau = jnp.where(mask, tau_ref[...], 0.0)
    uft = uf + mtau

    wu = wu_ref[...]
    wi = wi_ref[...]
    u_ref[...] = jnp.dot(uft, wu, preferred_element_type=jnp.float32)
    p_ref[...] = jnp.dot(pf_ref[...], wi, preferred_element_type=jnp.float32)
    n_ref[...] = jnp.dot(nf_ref[...], wi, preferred_element_type=jnp.float32)

    @pl.when(i == 0)
    def _init():
        acc_ref[0] = 0.0

    acc_ref[0] += jnp.sum(mtau * mtau)
    sq_ref[0] = acc_ref[0]


def _tc_stage1(tau, uf, pf, nf, wu, wi):
    tri = jnp.triu(jnp.ones((F, F), jnp.bfloat16))
    row_spec = pl.BlockSpec((_BLK, F), lambda i: (i, 0))
    emb_spec = pl.BlockSpec((_BLK, D), lambda i: (i, 0))
    w_spec = pl.BlockSpec((F, D), lambda i: (0, 0))
    tri_spec = pl.BlockSpec((F, F), lambda i: (0, 0))
    return pl.pallas_call(
        _tc_body,
        grid=(_GRID,),
        in_specs=[row_spec, row_spec, row_spec, row_spec, w_spec, w_spec,
                  tri_spec],
        out_specs=[
            emb_spec, emb_spec, emb_spec,
            pl.BlockSpec(memory_space=pltpu.SMEM),
        ],
        out_shape=[
            jax.ShapeDtypeStruct((B, D), jnp.float32),
            jax.ShapeDtypeStruct((B, D), jnp.float32),
            jax.ShapeDtypeStruct((B, D), jnp.float32),
            jax.ShapeDtypeStruct((1,), jnp.float32),
        ],
        scratch_shapes=[pltpu.SMEM((1,), jnp.float32)],
        compiler_params=pltpu.CompilerParams(
            dimension_semantics=("arbitrary",)),
    )(tau, uf, pf, nf, wu, wi, tri)


def _tc2_body(u_ref, p_ref, n_ref, eu_ref, ep_ref, en_ref, sq_ref,
              conf_ref, loss_ref, acc_ref):
    i = pl.program_id(0)
    u = u_ref[...] + eu_ref[...]
    pos = jnp.sum(u * (p_ref[...] + ep_ref[...]), axis=1)
    neg = jnp.sum(u * (n_ref[...] + en_ref[...]), axis=1)
    z = pos - neg
    conf = jnp.maximum(z, 0.0) + jnp.log1p(jnp.exp(-jnp.abs(z)))
    conf_ref[...] = conf

    @pl.when(i == 0)
    def _init():
        acc_ref[0] = 0.0

    acc_ref[0] += jnp.sum(conf)
    loss_ref[0] = acc_ref[0] + REG * jnp.sqrt(sq_ref[0])


def _tc_stage2(u, p, n, eu, ep, en, sq):
    emb_spec = pl.BlockSpec((_BLK, D), lambda i: (i, 0))
    return pl.pallas_call(
        _tc2_body,
        grid=(_GRID,),
        in_specs=[emb_spec] * 6 + [pl.BlockSpec(memory_space=pltpu.SMEM)],
        out_specs=[
            pl.BlockSpec((_BLK,), lambda i: (i,)),
            pl.BlockSpec(memory_space=pltpu.SMEM),
        ],
        out_shape=[
            jax.ShapeDtypeStruct((B,), jnp.float32),
            jax.ShapeDtypeStruct((1,), jnp.float32),
        ],
        scratch_shapes=[pltpu.SMEM((1,), jnp.float32)],
        compiler_params=pltpu.CompilerParams(
            dimension_semantics=("arbitrary",)),
    )(u, p, n, eu, ep, en, sq)


def kernel(tau, user_feature_batch, pos_item_feature_batch,
           neg_item_feature_batch, W_user, W_item, user_emb, item_emb,
           user_batch, pos_item_batch, neg_item_batch):
    eu, ep, en = _sc_gather(user_batch.astype(jnp.int32),
                            pos_item_batch.astype(jnp.int32),
                            neg_item_batch.astype(jnp.int32),
                            user_emb, item_emb)
    u, p, n, sq = _tc_stage1(tau, user_feature_batch, pos_item_feature_batch,
                             neg_item_feature_batch, W_user, W_item)
    conf, loss = _tc_stage2(u, p, n, eu, ep, en, sq)
    return loss[0], conf

# --- scband reference (transcript-rebuilt; emitter-appended) ---
"""Pipeline reference for scband-cnr-intervener-21371757265453 (READ-ONLY COPY).

The authoritative reference and input builder live on the scoring server;
editing this copy changes nothing except your own understanding.
"""

import jax, jax.numpy as jnp
import numpy as np

B = 4096
F = 512
D = 128
NU = 100000
NI = 100000
K = 64
REG = 0.01


def setup_inputs(seed: int = 0) -> dict:
    key = jax.random.key(seed)
    ks = jax.random.split(key, 11)
    return {
        "tau": jax.random.uniform(ks[0], (B, F), minval=-1.0, maxval=1.0, dtype=jnp.float32),
        "user_feature_batch": jax.random.normal(ks[1], (B, F), dtype=jnp.float32),
        "pos_item_feature_batch": jax.random.normal(ks[2], (B, F), dtype=jnp.float32),
        "neg_item_feature_batch": jax.random.normal(ks[3], (B, F), dtype=jnp.float32),
        "W_user": jax.random.normal(ks[4], (F, D), dtype=jnp.float32) * 0.02,
        "W_item": jax.random.normal(ks[5], (F, D), dtype=jnp.float32) * 0.02,
        "user_emb": jax.random.normal(ks[6], (NU, D), dtype=jnp.float32) * 0.02,
        "item_emb": jax.random.normal(ks[7], (NI, D), dtype=jnp.float32) * 0.02,
        "user_batch": jax.random.randint(ks[8], (B,), 0, NU),
        "pos_item_batch": jax.random.randint(ks[9], (B,), 0, NI),
        "neg_item_batch": jax.random.randint(ks[10], (B,), 0, NI),
    }


def _anchor_forward(user_batch, user_feat, item_batch, item_feat, W_user, W_item, user_emb, item_emb):
    # Two-tower anchor recommender: (proj(user_feat) + user_emb[u]) . (proj(item_feat) + item_emb[i])
    u = user_feat @ W_user + jnp.take(user_emb, user_batch, axis=0)
    v = item_feat @ W_item + jnp.take(item_emb, item_batch, axis=0)
    return jnp.sum(u * v, axis=1)


def reference(tau, user_feature_batch, pos_item_feature_batch, neg_item_feature_batch,
              W_user, W_item, user_emb, item_emb,
              user_batch, pos_item_batch, neg_item_batch):
    # hard intervention path (intervener_soft = False, fid = -1)
    _, idx = jax.lax.top_k(user_feature_batch, K)  # [B, K] indices of top-k features per user
    rows = jnp.arange(B)[:, None]
    mask = jnp.zeros((B, F), dtype=tau.dtype).at[rows, idx].set(1.0)  # scatter_(1, index, 1.0)
    masked_tau = tau * mask
    user_feature_t = user_feature_batch + masked_tau
    pos_score = _anchor_forward(user_batch, user_feature_t, pos_item_batch, pos_item_feature_batch,
                                W_user, W_item, user_emb, item_emb)
    neg_score = _anchor_forward(user_batch, user_feature_t, neg_item_batch, neg_item_feature_batch,
                                W_user, W_item, user_emb, item_emb)
    conf = -jax.nn.log_sigmoid(neg_score - pos_score)
    loss_sum = jnp.sum(conf) + REG * jnp.sqrt(jnp.sum(masked_tau ** 2))  # torch.norm(x, 2) = Frobenius norm
    return (loss_sum, conf)

if __name__ == "__main__":
    import jax
    _d = setup_inputs()
    print(jax.jit(kernel)(*tuple(_d.values())))

</pallas_src>

<mosaic_0001>
#map = affine_map<(d0, d1) -> (0)>
#map1 = affine_map<(d0, d1) -> (0, 0)>
module attributes {stable_mosaic.version = 14 : i64} {
  func.func @_sc_gather_body(%arg0: i32, %arg1: i32, %arg2: memref<4096xi32, #tpu.memory_space<hbm>>, %arg3: memref<4096xi32, #tpu.memory_space<hbm>>, %arg4: memref<4096xi32, #tpu.memory_space<hbm>>, %arg5: memref<100000x128xf32, #tpu.memory_space<hbm>>, %arg6: memref<100000x128xf32, #tpu.memory_space<hbm>>, %arg7: memref<4096x128xf32, #tpu.memory_space<hbm>>, %arg8: memref<4096x128xf32, #tpu.memory_space<hbm>>, %arg9: memref<4096x128xf32, #tpu.memory_space<hbm>>, %arg10: memref<128xi32, #tpu.memory_space<vmem>>, %arg11: memref<128xi32, #tpu.memory_space<vmem>>, %arg12: memref<128xi32, #tpu.memory_space<vmem>>, %arg13: memref<128x128xf32, #tpu.memory_space<vmem>>, %arg14: memref<128x128xf32, #tpu.memory_space<vmem>>, %arg15: memref<128x128xf32, #tpu.memory_space<vmem>>, %arg16: memref<!tpu.dma_semaphore, #tpu.memory_space<semaphore_mem>>, %arg17: memref<!tpu.dma_semaphore, #tpu.memory_space<semaphore_mem>>, %arg18: memref<!tpu.dma_semaphore, #tpu.memory_space<semaphore_mem>>) attributes {dimension_semantics = [#tpu.dimension_semantics<core_parallel>, #tpu.dimension_semantics<subcore_parallel>], iteration_bounds = array<i64: 2, 16>, scalar_prefetch = 0 : i64, scratch_operands = 9 : i64, tpu.core_type = #tpu.core_type<sc_vector_subcore>, window_params = [{transform_indices = #map}, {transform_indices = #map}, {transform_indices = #map}, {transform_indices = #map1}, {transform_indices = #map1}, {transform_indices = #map1}, {transform_indices = #map1}, {transform_indices = #map1}]} {
    %mul3A = arith.constant 2 : i32
    %mul3A_0 = arith.muli %arg1, %mul3A : i32
    %add3A = arith.addi %mul3A_0, %arg0 : i32
    %mul3A_1 = arith.constant 128 : i32
    %mul3A_2 = arith.muli %add3A, %mul3A_1 : i32
    "tpu.region"() ({
      %run_scoped3A = tpu.sem_alloc : memref<!tpu.dma_semaphore, #tpu.memory_space<semaphore_mem>>
      %dma_start3A_19 = tpu.memref_slice %arg2[%mul3A_2] : memref<4096xi32, #tpu.memory_space<hbm>> -> memref<128xi32, #tpu.memory_space<hbm>>
      %dma_start3A_20 = tpu.memref_slice %arg2[%mul3A_2] : memref<4096xi32, #tpu.memory_space<hbm>> -> memref<128xi32, #tpu.memory_space<hbm>>
      tpu.enqueue_dma source(%dma_start3A_20 : memref<128xi32, #tpu.memory_space<hbm>>) target(%arg10 : memref<128xi32, #tpu.memory_space<vmem>>) target_semaphore(%run_scoped3A : memref<!tpu.dma_semaphore, #tpu.memory_space<semaphore_mem>>)
      %dma_wait3A_21 = tpu.memref_slice %arg2[%mul3A_2] : memref<4096xi32, #tpu.memory_space<hbm>> -> memref<128xi32, #tpu.memory_space<hbm>>
      %dma_wait3A_22 = tpu.memref_slice %arg2[%mul3A_2] : memref<4096xi32, #tpu.memory_space<hbm>> -> memref<128xi32, #tpu.memory_space<hbm>>
      tpu.wait_dma2 semaphore(%run_scoped3A : memref<!tpu.dma_semaphore, #tpu.memory_space<semaphore_mem>>) src(%dma_wait3A_22 : memref<128xi32, #tpu.memory_space<hbm>>) dst(%arg10 : memref<128xi32, #tpu.memory_space<vmem>>)
      tpu.yield
    }) : () -> ()
    "tpu.region"() ({
      %run_scoped3A = tpu.sem_alloc : memref<!tpu.dma_semaphore, #tpu.memory_space<semaphore_mem>>
      %dma_start3A_19 = tpu.memref_slice %arg3[%mul3A_2] : memref<4096xi32, #tpu.memory_space<hbm>> -> memref<128xi32, #tpu.memory_space<hbm>>
      %dma_start3A_20 = tpu.memref_slice %arg3[%mul3A_2] : memref<4096xi32, #tpu.memory_space<hbm>> -> memref<128xi32, #tpu.memory_space<hbm>>
      tpu.enqueue_dma source(%dma_start3A_20 : memref<128xi32, #tpu.memory_space<hbm>>) target(%arg11 : memref<128xi32, #tpu.memory_space<vmem>>) target_semaphore(%run_scoped3A : memref<!tpu.dma_semaphore, #tpu.memory_space<semaphore_mem>>)
      %dma_wait3A_21 = tpu.memref_slice %arg3[%mul3A_2] : memref<4096xi32, #tpu.memory_space<hbm>> -> memref<128xi32, #tpu.memory_space<hbm>>
      %dma_wait3A_22 = tpu.memref_slice %arg3[%mul3A_2] : memref<4096xi32, #tpu.memory_space<hbm>> -> memref<128xi32, #tpu.memory_space<hbm>>
      tpu.wait_dma2 semaphore(%run_scoped3A : memref<!tpu.dma_semaphore, #tpu.memory_space<semaphore_mem>>) src(%dma_wait3A_22 : memref<128xi32, #tpu.memory_space<hbm>>) dst(%arg11 : memref<128xi32, #tpu.memory_space<vmem>>)
      tpu.yield
    }) : () -> ()
    "tpu.region"() ({
      %run_scoped3A = tpu.sem_alloc : memref<!tpu.dma_semaphore, #tpu.memory_space<semaphore_mem>>
      %dma_start3A_19 = tpu.memref_slice %arg4[%mul3A_2] : memref<4096xi32, #tpu.memory_space<hbm>> -> memref<128xi32, #tpu.memory_space<hbm>>
      %dma_start3A_20 = tpu.memref_slice %arg4[%mul3A_2] : memref<4096xi32, #tpu.memory_space<hbm>> -> memref<128xi32, #tpu.memory_space<hbm>>
      tpu.enqueue_dma source(%dma_start3A_20 : memref<128xi32, #tpu.memory_space<hbm>>) target(%arg12 : memref<128xi32, #tpu.memory_space<vmem>>) target_semaphore(%run_scoped3A : memref<!tpu.dma_semaphore, #tpu.memory_space<semaphore_mem>>)
      %dma_wait3A_21 = tpu.memref_slice %arg4[%mul3A_2] : memref<4096xi32, #tpu.memory_space<hbm>> -> memref<128xi32, #tpu.memory_space<hbm>>
      %dma_wait3A_22 = tpu.memref_slice %arg4[%mul3A_2] : memref<4096xi32, #tpu.memory_space<hbm>> -> memref<128xi32, #tpu.memory_space<hbm>>
      tpu.wait_dma2 semaphore(%run_scoped3A : memref<!tpu.dma_semaphore, #tpu.memory_space<semaphore_mem>>) src(%dma_wait3A_22 : memref<128xi32, #tpu.memory_space<hbm>>) dst(%arg12 : memref<128xi32, #tpu.memory_space<vmem>>)
      tpu.yield
    }) : () -> ()
    %dma_start3A = arith.constant 0 : i32
    %dma_start3A_3 = arith.constant 0 : i32
    %dma_start3A_4 = tpu.memref_slice %arg5[%dma_start3A, %dma_start3A_3] : memref<100000x128xf32, #tpu.memory_space<hbm>> -> memref<100000x128xf32, #tpu.memory_space<hbm>>
    tpu.enqueue_indirect_dma source(%dma_start3A_4 : memref<100000x128xf32, #tpu.memory_space<hbm>>) target(%arg13 : memref<128x128xf32, #tpu.memory_space<vmem>>) offsets(%arg10 : memref<128xi32, #tpu.memory_space<vmem>>) semaphore(%arg16 : memref<!tpu.dma_semaphore, #tpu.memory_space<semaphore_mem>>)
    %dma_start3A_5 = arith.constant 0 : i32
    %dma_start3A_6 = arith.constant 0 : i32
    %dma_start3A_7 = tpu.memref_slice %arg6[%dma_start3A_5, %dma_start3A_6] : memref<100000x128xf32, #tpu.memory_space<hbm>> -> memref<100000x128xf32, #tpu.memory_space<hbm>>
    tpu.enqueue_indirect_dma source(%dma_start3A_7 : memref<100000x128xf32, #tpu.memory_space<hbm>>) target(%arg14 : memref<128x128xf32, #tpu.memory_space<vmem>>) offsets(%arg11 : memref<128xi32, #tpu.memory_space<vmem>>) semaphore(%arg17 : memref<!tpu.dma_semaphore, #tpu.memory_space<semaphore_mem>>)
    %dma_start3A_8 = arith.constant 0 : i32
    %dma_start3A_9 = arith.constant 0 : i32
    %dma_start3A_10 = tpu.memref_slice %arg6[%dma_start3A_8, %dma_start3A_9] : memref<100000x128xf32, #tpu.memory_space<hbm>> -> memref<100000x128xf32, #tpu.memory_space<hbm>>
    tpu.enqueue_indirect_dma source(%dma_start3A_10 : memref<100000x128xf32, #tpu.memory_space<hbm>>) target(%arg15 : memref<128x128xf32, #tpu.memory_space<vmem>>) offsets(%arg12 : memref<128xi32, #tpu.memory_space<vmem>>) semaphore(%arg18 : memref<!tpu.dma_semaphore, #tpu.memory_space<semaphore_mem>>)
    %dma_wait3A = arith.constant 0 : i32
    %dma_wait3A_11 = arith.constant 0 : i32
    %dma_wait3A_12 = tpu.memref_slice %arg5[%dma_wait3A, %dma_wait3A_11] : memref<100000x128xf32, #tpu.memory_space<hbm>> -> memref<100000x128xf32, #tpu.memory_space<hbm>>
    tpu.wait_indirect_dma semaphore(%arg16 : memref<!tpu.dma_semaphore, #tpu.memory_space<semaphore_mem>>) src(%dma_wait3A_12 : memref<100000x128xf32, #tpu.memory_space<hbm>>) dst(%arg13 : memref<128x128xf32, #tpu.memory_space<vmem>>)
    "tpu.region"() ({
      %run_scoped3A = tpu.sem_alloc : memref<!tpu.dma_semaphore, #tpu.memory_space<semaphore_mem>>
      %dma_start3A_19 = arith.constant 0 : i32
      %dma_start3A_20 = tpu.memref_slice %arg7[%mul3A_2, %dma_start3A_19] : memref<4096x128xf32, #tpu.memory_space<hbm>> -> memref<128x128xf32, #tpu.memory_space<hbm>>
      %dma_start3A_21 = arith.constant 0 : i32
      %dma_start3A_22 = tpu.memref_slice %arg7[%mul3A_2, %dma_start3A_21] : memref<4096x128xf32, #tpu.memory_space<hbm>> -> memref<128x128xf32, #tpu.memory_space<hbm>>
      tpu.enqueue_dma source(%arg13 : memref<128x128xf32, #tpu.memory_space<vmem>>) target(%dma_start3A_22 : memref<128x128xf32, #tpu.memory_space<hbm>>) target_semaphore(%run_scoped3A : memref<!tpu.dma_semaphore, #tpu.memory_space<semaphore_mem>>)
      %dma_wait3A_23 = arith.constant 0 : i32
      %dma_wait3A_24 = tpu.memref_slice %arg7[%mul3A_2, %dma_wait3A_23] : memref<4096x128xf32, #tpu.memory_space<hbm>> -> memref<128x128xf32, #tpu.memory_space<hbm>>
      %dma_wait3A_25 = arith.constant 0 : i32
      %dma_wait3A_26 = tpu.memref_slice %arg7[%mul3A_2, %dma_wait3A_25] : memref<4096x128xf32, #tpu.memory_space<hbm>> -> memref<128x128xf32, #tpu.memory_space<hbm>>
      tpu.wait_dma2 semaphore(%run_scoped3A : memref<!tpu.dma_semaphore, #tpu.memory_space<semaphore_mem>>) src(%arg13 : memref<128x128xf32, #tpu.memory_space<vmem>>) dst(%dma_wait3A_26 : memref<128x128xf32, #tpu.memory_space<hbm>>)
      tpu.yield
    }) : () -> ()
    %dma_wait3A_13 = arith.constant 0 : i32
    %dma_wait3A_14 = arith.constant 0 : i32
    %dma_wait3A_15 = tpu.memref_slice %arg6[%dma_wait3A_13, %dma_wait3A_14] : memref<100000x128xf32, #tpu.memory_space<hbm>> -> memref<100000x128xf32, #tpu.memory_space<hbm>>
    tpu.wait_indirect_dma semaphore(%arg17 : memref<!tpu.dma_semaphore, #tpu.memory_space<semaphore_mem>>) src(%dma_wait3A_15 : memref<100000x128xf32, #tpu.memory_space<hbm>>) dst(%arg14 : memref<128x128xf32, #tpu.memory_space<vmem>>)
    "tpu.region"() ({
      %run_scoped3A = tpu.sem_alloc : memref<!tpu.dma_semaphore, #tpu.memory_space<semaphore_mem>>
      %dma_start3A_19 = arith.constant 0 : i32
      %dma_start3A_20 = tpu.memref_slice %arg8[%mul3A_2, %dma_start3A_19] : memref<4096x128xf32, #tpu.memory_space<hbm>> -> memref<128x128xf32, #tpu.memory_space<hbm>>
      %dma_start3A_21 = arith.constant 0 : i32
      %dma_start3A_22 = tpu.memref_slice %arg8[%mul3A_2, %dma_start3A_21] : memref<4096x128xf32, #tpu.memory_space<hbm>> -> memref<128x128xf32, #tpu.memory_space<hbm>>
      tpu.enqueue_dma source(%arg14 : memref<128x128xf32, #tpu.memory_space<vmem>>) target(%dma_start3A_22 : memref<128x128xf32, #tpu.memory_space<hbm>>) target_semaphore(%run_scoped3A : memref<!tpu.dma_semaphore, #tpu.memory_space<semaphore_mem>>)
      %dma_wait3A_23 = arith.constant 0 : i32
      %dma_wait3A_24 = tpu.memref_slice %arg8[%mul3A_2, %dma_wait3A_23] : memref<4096x128xf32, #tpu.memory_space<hbm>> -> memref<128x128xf32, #tpu.memory_space<hbm>>
      %dma_wait3A_25 = arith.constant 0 : i32
      %dma_wait3A_26 = tpu.memref_slice %arg8[%mul3A_2, %dma_wait3A_25] : memref<4096x128xf32, #tpu.memory_space<hbm>> -> memref<128x128xf32, #tpu.memory_space<hbm>>
      tpu.wait_dma2 semaphore(%run_scoped3A : memref<!tpu.dma_semaphore, #tpu.memory_space<semaphore_mem>>) src(%arg14 : memref<128x128xf32, #tpu.memory_space<vmem>>) dst(%dma_wait3A_26 : memref<128x128xf32, #tpu.memory_space<hbm>>)
      tpu.yield
    }) : () -> ()
    %dma_wait3A_16 = arith.constant 0 : i32
    %dma_wait3A_17 = arith.constant 0 : i32
    %dma_wait3A_18 = tpu.memref_slice %arg6[%dma_wait3A_16, %dma_wait3A_17] : memref<100000x128xf32, #tpu.memory_space<hbm>> -> memref<100000x128xf32, #tpu.memory_space<hbm>>
    tpu.wait_indirect_dma semaphore(%arg18 : memref<!tpu.dma_semaphore, #tpu.memory_space<semaphore_mem>>) src(%dma_wait3A_18 : memref<100000x128xf32, #tpu.memory_space<hbm>>) dst(%arg15 : memref<128x128xf32, #tpu.memory_space<vmem>>)
    "tpu.region"() ({
      %run_scoped3A = tpu.sem_alloc : memref<!tpu.dma_semaphore, #tpu.memory_space<semaphore_mem>>
      %dma_start3A_19 = arith.constant 0 : i32
      %dma_start3A_20 = tpu.memref_slice %arg9[%mul3A_2, %dma_start3A_19] : memref<4096x128xf32, #tpu.memory_space<hbm>> -> memref<128x128xf32, #tpu.memory_space<hbm>>
      %dma_start3A_21 = arith.constant 0 : i32
      %dma_start3A_22 = tpu.memref_slice %arg9[%mul3A_2, %dma_start3A_21] : memref<4096x128xf32, #tpu.memory_space<hbm>> -> memref<128x128xf32, #tpu.memory_space<hbm>>
      tpu.enqueue_dma source(%arg15 : memref<128x128xf32, #tpu.memory_space<vmem>>) target(%dma_start3A_22 : memref<128x128xf32, #tpu.memory_space<hbm>>) target_semaphore(%run_scoped3A : memref<!tpu.dma_semaphore, #tpu.memory_space<semaphore_mem>>)
      %dma_wait3A_23 = arith.constant 0 : i32
      %dma_wait3A_24 = tpu.memref_slice %arg9[%mul3A_2, %dma_wait3A_23] : memref<4096x128xf32, #tpu.memory_space<hbm>> -> memref<128x128xf32, #tpu.memory_space<hbm>>
      %dma_wait3A_25 = arith.constant 0 : i32
      %dma_wait3A_26 = tpu.memref_slice %arg9[%mul3A_2, %dma_wait3A_25] : memref<4096x128xf32, #tpu.memory_space<hbm>> -> memref<128x128xf32, #tpu.memory_space<hbm>>
      tpu.wait_dma2 semaphore(%run_scoped3A : memref<!tpu.dma_semaphore, #tpu.memory_space<semaphore_mem>>) src(%arg15 : memref<128x128xf32, #tpu.memory_space<vmem>>) dst(%dma_wait3A_26 : memref<128x128xf32, #tpu.memory_space<hbm>>)
      tpu.yield
    }) : () -> ()
    return
  }
}

module attributes {stable_mosaic.version = 14 : i64} {
  func.func @_tc2_body(%arg0: i32, %arg1: memref<1024x128xf32, #tpu.memory_space<vmem>>, %arg2: memref<1024x128xf32, #tpu.memory_space<vmem>>, %arg3: memref<1024x128xf32, #tpu.memory_space<vmem>>, %arg4: memref<1024x128xf32, #tpu.memory_space<vmem>>, %arg5: memref<1024x128xf32, #tpu.memory_space<vmem>>, %arg6: memref<1024x128xf32, #tpu.memory_space<vmem>>, %arg7: memref<1xf32, #tpu.memory_space<smem>>, %arg8: memref<1024xf32, #tpu.memory_space<vmem>>, %arg9: memref<1xf32, #tpu.memory_space<smem>>, %arg10: memref<1xf32, #tpu.memory_space<smem>>) attributes {dimension_semantics = [#tpu.dimension_semantics<arbitrary>], iteration_bounds = array<i64: 4>, scalar_prefetch = 0 : i64, scratch_operands = 1 : i64, tpu.core_type = #tpu.core_type<tc>, window_params = [{transform_indices = @transform_0, window_bounds = array<i64: 1024, 128>}, {transform_indices = @transform_1, window_bounds = array<i64: 1024, 128>}, {transform_indices = @transform_2, window_bounds = array<i64: 1024, 128>}, {transform_indices = @transform_3, window_bounds = array<i64: 1024, 128>}, {transform_indices = @transform_4, window_bounds = array<i64: 1024, 128>}, {transform_indices = @transform_5, window_bounds = array<i64: 1024, 128>}, {transform_indices = @transform_6, window_bounds = array<i64: 1>}, {transform_indices = @transform_7, window_bounds = array<i64: 1024>}, {transform_indices = @transform_8, window_bounds = array<i64: 1>}]} {
    %get3A = arith.constant 0 : index
    %get3A_0 = arith.constant 0 : index
    %get3A_1 = vector.load %arg1[%get3A, %get3A_0] : memref<1024x128xf32, #tpu.memory_space<vmem>>, vector<1024x128xf32>
    %get3A_2 = arith.constant 0 : index
    %get3A_3 = arith.constant 0 : index
    %get3A_4 = vector.load %arg4[%get3A_2, %get3A_3] : memref<1024x128xf32, #tpu.memory_space<vmem>>, vector<1024x128xf32>
    %add3A = arith.addf %get3A_1, %get3A_4 : vector<1024x128xf32>
    %get3A_5 = arith.constant 0 : index
    %get3A_6 = arith.constant 0 : index
    %get3A_7 = vector.load %arg2[%get3A_5, %get3A_6] : memref<1024x128xf32, #tpu.memory_space<vmem>>, vector<1024x128xf32>
    %get3A_8 = arith.constant 0 : index
    %get3A_9 = arith.constant 0 : index
    %get3A_10 = vector.load %arg5[%get3A_8, %get3A_9] : memref<1024x128xf32, #tpu.memory_space<vmem>>, vector<1024x128xf32>
    %add3A_11 = arith.addf %get3A_7, %get3A_10 : vector<1024x128xf32>
    %mul3A = arith.mulf %add3A, %add3A_11 : vector<1024x128xf32>
    %reduce_sum3A = arith.constant dense<0.000000e+00> : vector<1024xf32>
    %reduce_sum3A_12 = vector.multi_reduction <add>, %mul3A, %reduce_sum3A [1] : vector<1024x128xf32> to vector<1024xf32>
    %get3A_13 = arith.constant 0 : index
    %get3A_14 = arith.constant 0 : index
    %get3A_15 = vector.load %arg3[%get3A_13, %get3A_14] : memref<1024x128xf32, #tpu.memory_space<vmem>>, vector<1024x128xf32>
    %get3A_16 = arith.constant 0 : index
    %get3A_17 = arith.constant 0 : index
    %get3A_18 = vector.load %arg6[%get3A_16, %get3A_17] : memref<1024x128xf32, #tpu.memory_space<vmem>>, vector<1024x128xf32>
    %add3A_19 = arith.addf %get3A_15, %get3A_18 : vector<1024x128xf32>
    %mul3A_20 = arith.mulf %add3A, %add3A_19 : vector<1024x128xf32>
    %reduce_sum3A_21 = arith.constant dense<0.000000e+00> : vector<1024xf32>
    %reduce_sum3A_22 = vector.multi_reduction <add>, %mul3A_20, %reduce_sum3A_21 [1] : vector<1024x128xf32> to vector<1024xf32>
    %sub3A = arith.subf %reduce_sum3A_12, %reduce_sum3A_22 : vector<1024xf32>
    %max3A = arith.constant 0.000000e+00 : f32
    %max3A_23 = vector.broadcast %max3A : f32 to vector<1024xf32>
    %max3A_24 = arith.maximumf %sub3A, %max3A_23 : vector<1024xf32>
    %abs3A = math.absf %sub3A : vector<1024xf32>
    %neg3A = arith.constant 0.000000e+00 : f32
    %neg3A_25 = vector.broadcast %neg3A : f32 to vector<1024xf32>
    %neg3A_26 = arith.subf %neg3A_25, %abs3A : vector<1024xf32>
    %exp3A = math.exp %neg3A_26 : vector<1024xf32>
    %log1p3A = math.log1p %exp3A : vector<1024xf32>
    %add3A_27 = arith.addf %max3A_24, %log1p3A : vector<1024xf32>
    %swap3A = arith.constant 0 : index
    %swap3A_28 = vector.load %arg8[%swap3A] : memref<1024xf32, #tpu.memory_space<vmem>>, vector<1024xf32>
    tpu.vector_store %arg8[%swap3A], %add3A_27 {strides = array<i32>} : memref<1024xf32, #tpu.memory_space<vmem>>, vector<1024xf32>,
    %eq3A = arith.constant 0 : i32
    %eq3A_29 = arith.cmpi eq, %arg0, %eq3A : i32
    %convert_element_type3A = arith.extui %eq3A_29 : i1 to i32
    %cond3A = arith.constant 0 : i32
    %cond3A_30 = arith.cmpi ne, %convert_element_type3A, %cond3A : i32
    scf.if %cond3A_30 {
      %swap3A_50 = arith.constant 0.000000e+00 : f32
      %swap3A_51 = arith.constant 0 : index
      %swap3A_52 = memref.load %arg10[%swap3A_51] : memref<1xf32, #tpu.memory_space<smem>>
      memref.store %swap3A_50, %arg10[%swap3A_51] : memref<1xf32, #tpu.memory_space<smem>>
    } else {
    }
    %get3A_31 = arith.constant 0 : index
    %get3A_32 = memref.load %arg10[%get3A_31] : memref<1xf32, #tpu.memory_space<smem>>
    %reduce_sum3A_33 = vector.shape_cast %add3A_27 : vector<1024xf32> to vector<1x1024xf32>
    %reduce_sum3A_34 = arith.constant dense<0.000000e+00> : vector<1xf32>
    %reduce_sum3A_35 = vector.multi_reduction <add>, %reduce_sum3A_33, %reduce_sum3A_34 [1] : vector<1x1024xf32> to vector<1xf32>
    %reduce_sum3A_36 = vector.shape_cast %reduce_sum3A_35 : vector<1xf32> to vector<1x1xf32>
    %reduce_sum3A_37 = vector.extract %reduce_sum3A_36[0, 0] : f32 from vector<1x1xf32>
    %add3A_38 = arith.addf %get3A_32, %reduce_sum3A_37 : f32
    %swap3A_39 = arith.constant 0 : index
    %swap3A_40 = memref.load %arg10[%swap3A_39] : memref<1xf32, #tpu.memory_space<smem>>
    memref.store %add3A_38, %arg10[%swap3A_39] : memref<1xf32, #tpu.memory_space<smem>>
    %get3A_41 = arith.constant 0 : index
    %get3A_42 = memref.load %arg10[%get3A_41] : memref<1xf32, #tpu.memory_space<smem>>
    %get3A_43 = arith.constant 0 : index
    %get3A_44 = memref.load %arg7[%get3A_43] : memref<1xf32, #tpu.memory_space<smem>>
    %sqrt3A = math.sqrt %get3A_44 : f32
    %mul3A_45 = arith.constant 0.00999999977 : f32
    %mul3A_46 = arith.mulf %mul3A_45, %sqrt3A : f32
    %add3A_47 = arith.addf %get3A_42, %mul3A_46 : f32
    %swap3A_48 = arith.constant 0 : index
    %swap3A_49 = memref.load %arg9[%swap3A_48] : memref<1xf32, #tpu.memory_space<smem>>
    memref.store %add3A_47, %arg9[%swap3A_48] : memref<1xf32, #tpu.memory_space<smem>>
    return
  }
  func.func @transform_0(%arg0: i32) -> (i32, i32) {
    %c0_i32 = arith.constant 0 : i32
    %c0_i32_0 = arith.constant 0 : i32
    return %arg0, %c0_i32 : i32, i32
  }
  func.func @transform_1(%arg0: i32) -> (i32, i32) {
    %c0_i32 = arith.constant 0 : i32
    %c0_i32_0 = arith.constant 0 : i32
    return %arg0, %c0_i32 : i32, i32
  }
  func.func @transform_2(%arg0: i32) -> (i32, i32) {
    %c0_i32 = arith.constant 0 : i32
    %c0_i32_0 = arith.constant 0 : i32
    return %arg0, %c0_i32 : i32, i32
  }
  func.func @transform_3(%arg0: i32) -> (i32, i32) {
    %c0_i32 = arith.constant 0 : i32
    %c0_i32_0 = arith.constant 0 : i32
    return %arg0, %c0_i32 : i32, i32
  }
  func.func @transform_4(%arg0: i32) -> (i32, i32) {
    %c0_i32 = arith.constant 0 : i32
    %c0_i32_0 = arith.constant 0 : i32
    return %arg0, %c0_i32 : i32, i32
  }
  func.func @transform_5(%arg0: i32) -> (i32, i32) {
    %c0_i32 = arith.constant 0 : i32
    %c0_i32_0 = arith.constant 0 : i32
    return %arg0, %c0_i32 : i32, i32
  }
  func.func @transform_6(%arg0: i32) -> i32 {
    %c0_i32 = arith.constant 0 : i32
    %c0_i32_0 = arith.constant 0 : i32
    return %c0_i32 : i32
  }
  func.func @transform_7(%arg0: i32) -> i32 {
    %c0_i32 = arith.constant 0 : i32
    return %arg0 : i32
  }
  func.func @transform_8(%arg0: i32) -> i32 {
    %c0_i32 = arith.constant 0 : i32
    %c0_i32_0 = arith.constant 0 : i32
    return %c0_i32 : i32
  }
}

module attributes {stable_mosaic.version = 14 : i64} {
  func.func @_tc_body(%arg0: i32, %arg1: memref<1024x512xf32, #tpu.memory_space<vmem>>, %arg2: memref<1024x512xf32, #tpu.memory_space<vmem>>, %arg3: memref<1024x512xf32, #tpu.memory_space<vmem>>, %arg4: memref<1024x512xf32, #tpu.memory_space<vmem>>, %arg5: memref<512x128xf32, #tpu.memory_space<vmem>>, %arg6: memref<512x128xf32, #tpu.memory_space<vmem>>, %arg7: memref<512x512xbf16, #tpu.memory_space<vmem>>, %arg8: memref<1024x128xf32, #tpu.memory_space<vmem>>, %arg9: memref<1024x128xf32, #tpu.memory_space<vmem>>, %arg10: memref<1024x128xf32, #tpu.memory_space<vmem>>, %arg11: memref<1xf32, #tpu.memory_space<smem>>, %arg12: memref<1xf32, #tpu.memory_space<smem>>) attributes {dimension_semantics = [#tpu.dimension_semantics<arbitrary>], iteration_bounds = array<i64: 4>, scalar_prefetch = 0 : i64, scratch_operands = 1 : i64, tpu.core_type = #tpu.core_type<tc>, window_params = [{transform_indices = @transform_0, window_bounds = array<i64: 1024, 512>}, {transform_indices = @transform_1, window_bounds = array<i64: 1024, 512>}, {transform_indices = @transform_2, window_bounds = array<i64: 1024, 512>}, {transform_indices = @transform_3, window_bounds = array<i64: 1024, 512>}, {pipeline_mode = #tpu.pipeline_mode<synchronous>, transform_indices = @transform_4, window_bounds = array<i64: 512, 128>}, {pipeline_mode = #tpu.pipeline_mode<synchronous>, transform_indices = @transform_5, window_bounds = array<i64: 512, 128>}, {pipeline_mode = #tpu.pipeline_mode<synchronous>, transform_indices = @transform_6, window_bounds = array<i64: 512, 512>}, {transform_indices = @transform_7, window_bounds = array<i64: 1024, 128>}, {transform_indices = @transform_8, window_bounds = array<i64: 1024, 128>}, {transform_indices = @transform_9, window_bounds = array<i64: 1024, 128>}, {transform_indices = @transform_10, window_bounds = array<i64: 1>}]} {
    %get3A = arith.constant 0 : index
    %get3A_0 = arith.constant 0 : index
    %get3A_1 = vector.load %arg2[%get3A, %get3A_0] : memref<1024x512xf32, #tpu.memory_space<vmem>>, vector<1024x512xf32>
    %bitcast_convert_type3A = tpu.bitcast %get3A_1 : vector<1024x512xf32> -> vector<1024x512xi32>
    %ge3A = arith.constant 0 : i32
    %ge3A_2 = vector.broadcast %ge3A : i32 to vector<1024x512xi32>
    %ge3A_3 = arith.cmpi sge, %bitcast_convert_type3A, %ge3A_2 : vector<1024x512xi32>
    %sub3A = arith.constant -2147483648 : i32
    %sub3A_4 = vector.broadcast %sub3A : i32 to vector<1024x512xi32>
    %sub3A_5 = arith.subi %sub3A_4, %bitcast_convert_type3A : vector<1024x512xi32>
    %select_n3A = arith.select %ge3A_3, %bitcast_convert_type3A, %sub3A_5 : vector<1024x512xi1>, vector<1024x512xi32>
    %broadcast_in_dim3A = arith.constant -2147483648 : i32
    %broadcast_in_dim3A_6 = vector.broadcast %broadcast_in_dim3A : i32 to vector<1024xi32>
    %broadcast_in_dim3A_7 = arith.constant 0 : i32
    %broadcast_in_dim3A_8 = vector.broadcast %broadcast_in_dim3A_7 : i32 to vector<1024xi32>
    %broadcast_in_dim3A_9 = vector.shape_cast %broadcast_in_dim3A_8 : vector<1024xi32> to vector<1024x1xi32>
    %ge3A_10 = vector.broadcast %broadcast_in_dim3A_9 : vector<1024x1xi32> to vector<1024x512xi32>
    %ge3A_11 = arith.cmpi sge, %select_n3A, %ge3A_10 : vector<1024x512xi32>
    %convert_element_type3A = arith.extui %ge3A_11 : vector<1024x512xi1> to vector<1024x512xi32>
    %convert_element_type3A_12 = arith.sitofp %convert_element_type3A : vector<1024x512xi32> to vector<1024x512xf32>
    %reduce_sum3A = arith.constant dense<0.000000e+00> : vector<1024xf32>
    %reduce_sum3A_13 = vector.multi_reduction <add>, %convert_element_type3A_12, %reduce_sum3A [1] : vector<1024x512xf32> to vector<1024xf32>
    %ge3A_14 = arith.constant 6.400000e+01 : f32
    %ge3A_15 = vector.broadcast %ge3A_14 : f32 to vector<1024xf32>
    %ge3A_16 = arith.cmpf oge, %reduce_sum3A_13, %ge3A_15 : vector<1024xf32>
    %select_n3A_17 = arith.select %ge3A_16, %broadcast_in_dim3A_8, %broadcast_in_dim3A_6 : vector<1024xi1>, vector<1024xi32>
    %or3A = arith.constant 1073741824 : i32
    %or3A_18 = vector.broadcast %or3A : i32 to vector<1024xi32>
    %or3A_19 = arith.ori %select_n3A_17, %or3A_18 : vector<1024xi32>
    %broadcast_in_dim3A_20 = vector.shape_cast %or3A_19 : vector<1024xi32> to vector<1024x1xi32>
    %ge3A_21 = vector.broadcast %broadcast_in_dim3A_20 : vector<1024x1xi32> to vector<1024x512xi32>
    %ge3A_22 = arith.cmpi sge, %select_n3A, %ge3A_21 : vector<1024x512xi32>
    %convert_element_type3A_23 = arith.extui %ge3A_22 : vector<1024x512xi1> to vector<1024x512xi32>
    %convert_element_type3A_24 = arith.sitofp %convert_element_type3A_23 : vector<1024x512xi32> to vector<1024x512xf32>
    %reduce_sum3A_25 = arith.constant dense<0.000000e+00> : vector<1024xf32>
    %reduce_sum3A_26 = vector.multi_reduction <add>, %convert_element_type3A_24, %reduce_sum3A_25 [1] : vector<1024x512xf32> to vector<1024xf32>
    %ge3A_27 = arith.constant 6.400000e+01 : f32
    %ge3A_28 = vector.broadcast %ge3A_27 : f32 to vector<1024xf32>
    %ge3A_29 = arith.cmpf oge, %reduce_sum3A_26, %ge3A_28 : vector<1024xf32>
    %select_n3A_30 = arith.select %ge3A_29, %or3A_19, %select_n3A_17 : vector<1024xi1>, vector<1024xi32>
    %or3A_31 = arith.constant 536870912 : i32
    %or3A_32 = vector.broadcast %or3A_31 : i32 to vector<1024xi32>
    %or3A_33 = arith.ori %select_n3A_30, %or3A_32 : vector<1024xi32>
    %broadcast_in_dim3A_34 = vector.shape_cast %or3A_33 : vector<1024xi32> to vector<1024x1xi32>
    %ge3A_35 = vector.broadcast %broadcast_in_dim3A_34 : vector<1024x1xi32> to vector<1024x512xi32>
    %ge3A_36 = arith.cmpi sge, %select_n3A, %ge3A_35 : vector<1024x512xi32>
    %convert_element_type3A_37 = arith.extui %ge3A_36 : vector<1024x512xi1> to vector<1024x512xi32>
    %convert_element_type3A_38 = arith.sitofp %convert_element_type3A_37 : vector<1024x512xi32> to vector<1024x512xf32>
    %reduce_sum3A_39 = arith.constant dense<0.000000e+00> : vector<1024xf32>
    %reduce_sum3A_40 = vector.multi_reduction <add>, %convert_element_type3A_38, %reduce_sum3A_39 [1] : vector<1024x512xf32> to vector<1024xf32>
    %ge3A_41 = arith.constant 6.400000e+01 : f32
    %ge3A_42 = vector.broadcast %ge3A_41 : f32 to vector<1024xf32>
    %ge3A_43 = arith.cmpf oge, %reduce_sum3A_40, %ge3A_42 : vector<1024xf32>
    %select_n3A_44 = arith.select %ge3A_43, %or3A_33, %select_n3A_30 : vector<1024xi1>, vector<1024xi32>
    %or3A_45 = arith.constant 268435456 : i32
    %or3A_46 = vector.broadcast %or3A_45 : i32 to vector<1024xi32>
    %or3A_47 = arith.ori %select_n3A_44, %or3A_46 : vector<1024xi32>
    %broadcast_in_dim3A_48 = vector.shape_cast %or3A_47 : vector<1024xi32> to vector<1024x1xi32>
    %ge3A_49 = vector.broadcast %broadcast_in_dim3A_48 : vector<1024x1xi32> to vector<1024x512xi32>
    %ge3A_50 = arith.cmpi sge, %select_n3A, %ge3A_49 : vector<1024x512xi32>
    %convert_element_type3A_51 = arith.extui %ge3A_50 : vector<1024x512xi1> to vector<1024x512xi32>
    %convert_element_type3A_52 = arith.sitofp %convert_element_type3A_51 : vector<1024x512xi32> to vector<1024x512xf32>
    %reduce_sum3A_53 = arith.constant dense<0.000000e+00> : vector<1024xf32>
    %reduce_sum3A_54 = vector.multi_reduction <add>, %convert_element_type3A_52, %reduce_sum3A_53 [1] : vector<1024x512xf32> to vector<1024xf32>
    %ge3A_55 = arith.constant 6.400000e+01 : f32
    %ge3A_56 = vector.broadcast %ge3A_55 : f32 to vector<1024xf32>
    %ge3A_57 = arith.cmpf oge, %reduce_sum3A_54, %ge3A_56 : vector<1024xf32>
    %select_n3A_58 = arith.select %ge3A_57, %or3A_47, %select_n3A_44 : vector<1024xi1>, vector<1024xi32>
    %or3A_59 = arith.constant 134217728 : i32
    %or3A_60 = vector.broadcast %or3A_59 : i32 to vector<1024xi32>
    %or3A_61 = arith.ori %select_n3A_58, %or3A_60 : vector<1024xi32>
    %broadcast_in_dim3A_62 = vector.shape_cast %or3A_61 : vector<1024xi32> to vector<1024x1xi32>
    %ge3A_63 = vector.broadcast %broadcast_in_dim3A_62 : vector<1024x1xi32> to vector<1024x512xi32>
    %ge3A_64 = arith.cmpi sge, %select_n3A, %ge3A_63 : vector<1024x512xi32>
    %convert_element_type3A_65 = arith.extui %ge3A_64 : vector<1024x512xi1> to vector<1024x512xi32>
    %convert_element_type3A_66 = arith.sitofp %convert_element_type3A_65 : vector<1024x512xi32> to vector<1024x512xf32>
    %reduce_sum3A_67 = arith.constant dense<0.000000e+00> : vector<1024xf32>
    %reduce_sum3A_68 = vector.multi_reduction <add>, %convert_element_type3A_66, %reduce_sum3A_67 [1] : vector<1024x512xf32> to vector<1024xf32>
    %ge3A_69 = arith.constant 6.400000e+01 : f32
    %ge3A_70 = vector.broadcast %ge3A_69 : f32 to vector<1024xf32>
    %ge3A_71 = arith.cmpf oge, %reduce_sum3A_68, %ge3A_70 : vector<1024xf32>
    %select_n3A_72 = arith.select %ge3A_71, %or3A_61, %select_n3A_58 : vector<1024xi1>, vector<1024xi32>
    %or3A_73 = arith.constant 67108864 : i32
    %or3A_74 = vector.broadcast %or3A_73 : i32 to vector<1024xi32>
    %or3A_75 = arith.ori %select_n3A_72, %or3A_74 : vector<1024xi32>
    %broadcast_in_dim3A_76 = vector.shape_cast %or3A_75 : vector<1024xi32> to vector<1024x1xi32>
    %ge3A_77 = vector.broadcast %broadcast_in_dim3A_76 : vector<1024x1xi32> to vector<1024x512xi32>
    %ge3A_78 = arith.cmpi sge, %select_n3A, %ge3A_77 : vector<1024x512xi32>
    %convert_element_type3A_79 = arith.extui %ge3A_78 : vector<1024x512xi1> to vector<1024x512xi32>
    %convert_element_type3A_80 = arith.sitofp %convert_element_type3A_79 : vector<1024x512xi32> to vector<1024x512xf32>
    %reduce_sum3A_81 = arith.constant dense<0.000000e+00> : vector<1024xf32>
    %reduce_sum3A_82 = vector.multi_reduction <add>, %convert_element_type3A_80, %reduce_sum3A_81 [1] : vector<1024x512xf32> to vector<1024xf32>
    %ge3A_83 = arith.constant 6.400000e+01 : f32
    %ge3A_84 = vector.broadcast %ge3A_83 : f32 to vector<1024xf32>
    %ge3A_85 = arith.cmpf oge, %reduce_sum3A_82, %ge3A_84 : vector<1024xf32>
    %select_n3A_86 = arith.select %ge3A_85, %or3A_75, %select_n3A_72 : vector<1024xi1>, vector<1024xi32>
    %or3A_87 = arith.constant 33554432 : i32
    %or3A_88 = vector.broadcast %or3A_87 : i32 to vector<1024xi32>
    %or3A_89 = arith.ori %select_n3A_86, %or3A_88 : vector<1024xi32>
    %broadcast_in_dim3A_90 = vector.shape_cast %or3A_89 : vector<1024xi32> to vector<1024x1xi32>
    %ge3A_91 = vector.broadcast %broadcast_in_dim3A_90 : vector<1024x1xi32> to vector<1024x512xi32>
    %ge3A_92 = arith.cmpi sge, %select_n3A, %ge3A_91 : vector<1024x512xi32>
    %convert_element_type3A_93 = arith.extui %ge3A_92 : vector<1024x512xi1> to vector<1024x512xi32>
    %convert_element_type3A_94 = arith.sitofp %convert_element_type3A_93 : vector<1024x512xi32> to vector<1024x512xf32>
    %reduce_sum3A_95 = arith.constant dense<0.000000e+00> : vector<1024xf32>
    %reduce_sum3A_96 = vector.multi_reduction <add>, %convert_element_type3A_94, %reduce_sum3A_95 [1] : vector<1024x512xf32> to vector<1024xf32>
    %ge3A_97 = arith.constant 6.400000e+01 : f32
    %ge3A_98 = vector.broadcast %ge3A_97 : f32 to vector<1024xf32>
    %ge3A_99 = arith.cmpf oge, %reduce_sum3A_96, %ge3A_98 : vector<1024xf32>
    %select_n3A_100 = arith.select %ge3A_99, %or3A_89, %select_n3A_86 : vector<1024xi1>, vector<1024xi32>
    %or3A_101 = arith.constant 16777216 : i32
    %or3A_102 = vector.broadcast %or3A_101 : i32 to vector<1024xi32>
    %or3A_103 = arith.ori %select_n3A_100, %or3A_102 : vector<1024xi32>
    %broadcast_in_dim3A_104 = vector.shape_cast %or3A_103 : vector<1024xi32> to vector<1024x1xi32>
    %ge3A_105 = vector.broadcast %broadcast_in_dim3A_104 : vector<1024x1xi32> to vector<1024x512xi32>
    %ge3A_106 = arith.cmpi sge, %select_n3A, %ge3A_105 : vector<1024x512xi32>
    %convert_element_type3A_107 = arith.extui %ge3A_106 : vector<1024x512xi1> to vector<1024x512xi32>
    %convert_element_type3A_108 = arith.sitofp %convert_element_type3A_107 : vector<1024x512xi32> to vector<1024x512xf32>
    %reduce_sum3A_109 = arith.constant dense<0.000000e+00> : vector<1024xf32>
    %reduce_sum3A_110 = vector.multi_reduction <add>, %convert_element_type3A_108, %reduce_sum3A_109 [1] : vector<1024x512xf32> to vector<1024xf32>
    %ge3A_111 = arith.constant 6.400000e+01 : f32
    %ge3A_112 = vector.broadcast %ge3A_111 : f32 to vector<1024xf32>
    %ge3A_113 = arith.cmpf oge, %reduce_sum3A_110, %ge3A_112 : vector<1024xf32>
    %select_n3A_114 = arith.select %ge3A_113, %or3A_103, %select_n3A_100 : vector<1024xi1>, vector<1024xi32>
    %or3A_115 = arith.constant 8388608 : i32
    %or3A_116 = vector.broadcast %or3A_115 : i32 to vector<1024xi32>
    %or3A_117 = arith.ori %select_n3A_114, %or3A_116 : vector<1024xi32>
    %broadcast_in_dim3A_118 = vector.shape_cast %or3A_117 : vector<1024xi32> to vector<1024x1xi32>
    %ge3A_119 = vector.broadcast %broadcast_in_dim3A_118 : vector<1024x1xi32> to vector<1024x512xi32>
    %ge3A_120 = arith.cmpi sge, %select_n3A, %ge3A_119 : vector<1024x512xi32>
    %convert_element_type3A_121 = arith.extui %ge3A_120 : vector<1024x512xi1> to vector<1024x512xi32>
    %convert_element_type3A_122 = arith.sitofp %convert_element_type3A_121 : vector<1024x512xi32> to vector<1024x512xf32>
    %reduce_sum3A_123 = arith.constant dense<0.000000e+00> : vector<1024xf32>
    %reduce_sum3A_124 = vector.multi_reduction <add>, %convert_element_type3A_122, %reduce_sum3A_123 [1] : vector<1024x512xf32> to vector<1024xf32>
    %ge3A_125 = arith.constant 6.400000e+01 : f32
    %ge3A_126 = vector.broadcast %ge3A_125 : f32 to vector<1024xf32>
    %ge3A_127 = arith.cmpf oge, %reduce_sum3A_124, %ge3A_126 : vector<1024xf32>
    %select_n3A_128 = arith.select %ge3A_127, %or3A_117, %select_n3A_114 : vector<1024xi1>, vector<1024xi32>
    %or3A_129 = arith.constant 4194304 : i32
    %or3A_130 = vector.broadcast %or3A_129 : i32 to vector<1024xi32>
    %or3A_131 = arith.ori %select_n3A_128, %or3A_130 : vector<1024xi32>
    %broadcast_in_dim3A_132 = vector.shape_cast %or3A_131 : vector<1024xi32> to vector<1024x1xi32>
    %ge3A_133 = vector.broadcast %broadcast_in_dim3A_132 : vector<1024x1xi32> to vector<1024x512xi32>
    %ge3A_134 = arith.cmpi sge, %select_n3A, %ge3A_133 : vector<1024x512xi32>
    %convert_element_type3A_135 = arith.extui %ge3A_134 : vector<1024x512xi1> to vector<1024x512xi32>
    %convert_element_type3A_136 = arith.sitofp %convert_element_type3A_135 : vector<1024x512xi32> to vector<1024x512xf32>
    %reduce_sum3A_137 = arith.constant dense<0.000000e+00> : vector<1024xf32>
    %reduce_sum3A_138 = vector.multi_reduction <add>, %convert_element_type3A_136, %reduce_sum3A_137 [1] : vector<1024x512xf32> to vector<1024xf32>
    %ge3A_139 = arith.constant 6.400000e+01 : f32
    %ge3A_140 = vector.broadcast %ge3A_139 : f32 to vector<1024xf32>
    %ge3A_141 = arith.cmpf oge, %reduce_sum3A_138, %ge3A_140 : vector<1024xf32>
    %select_n3A_142 = arith.select %ge3A_141, %or3A_131, %select_n3A_128 : vector<1024xi1>, vector<1024xi32>
    %or3A_143 = arith.constant 2097152 : i32
    %or3A_144 = vector.broadcast %or3A_143 : i32 to vector<1024xi32>
    %or3A_145 = arith.ori %select_n3A_142, %or3A_144 : vector<1024xi32>
    %broadcast_in_dim3A_146 = vector.shape_cast %or3A_145 : vector<1024xi32> to vector<1024x1xi32>
    %ge3A_147 = vector.broadcast %broadcast_in_dim3A_146 : vector<1024x1xi32> to vector<1024x512xi32>
    %ge3A_148 = arith.cmpi sge, %select_n3A, %ge3A_147 : vector<1024x512xi32>
    %convert_element_type3A_149 = arith.extui %ge3A_148 : vector<1024x512xi1> to vector<1024x512xi32>
    %convert_element_type3A_150 = arith.sitofp %convert_element_type3A_149 : vector<1024x512xi32> to vector<1024x512xf32>
    %reduce_sum3A_151 = arith.constant dense<0.000000e+00> : vector<1024xf32>
    %reduce_sum3A_152 = vector.multi_reduction <add>, %convert_element_type3A_150, %reduce_sum3A_151 [1] : vector<1024x512xf32> to vector<1024xf32>
    %ge3A_153 = arith.constant 6.400000e+01 : f32
    %ge3A_154 = vector.broadcast %ge3A_153 : f32 to vector<1024xf32>
    %ge3A_155 = arith.cmpf oge, %reduce_sum3A_152, %ge3A_154 : vector<1024xf32>
    %select_n3A_156 = arith.select %ge3A_155, %or3A_145, %select_n3A_142 : vector<1024xi1>, vector<1024xi32>
    %or3A_157 = arith.constant 1048576 : i32
    %or3A_158 = vector.broadcast %or3A_157 : i32 to vector<1024xi32>
    %or3A_159 = arith.ori %select_n3A_156, %or3A_158 : vector<1024xi32>
    %broadcast_in_dim3A_160 = vector.shape_cast %or3A_159 : vector<1024xi32> to vector<1024x1xi32>
    %ge3A_161 = vector.broadcast %broadcast_in_dim3A_160 : vector<1024x1xi32> to vector<1024x512xi32>
    %ge3A_162 = arith.cmpi sge, %select_n3A, %ge3A_161 : vector<1024x512xi32>
    %convert_element_type3A_163 = arith.extui %ge3A_162 : vector<1024x512xi1> to vector<1024x512xi32>
    %convert_element_type3A_164 = arith.sitofp %convert_element_type3A_163 : vector<1024x512xi32> to vector<1024x512xf32>
    %reduce_sum3A_165 = arith.constant dense<0.000000e+00> : vector<1024xf32>
    %reduce_sum3A_166 = vector.multi_reduction <add>, %convert_element_type3A_164, %reduce_sum3A_165 [1] : vector<1024x512xf32> to vector<1024xf32>
    %ge3A_167 = arith.constant 6.400000e+01 : f32
    %ge3A_168 = vector.broadcast %ge3A_167 : f32 to vector<1024xf32>
    %ge3A_169 = arith.cmpf oge, %reduce_sum3A_166, %ge3A_168 : vector<1024xf32>
    %select_n3A_170 = arith.select %ge3A_169, %or3A_159, %select_n3A_156 : vector<1024xi1>, vector<1024xi32>
    %or3A_171 = arith.constant 524288 : i32
    %or3A_172 = vector.broadcast %or3A_171 : i32 to vector<1024xi32>
    %or3A_173 = arith.ori %select_n3A_170, %or3A_172 : vector<1024xi32>
    %broadcast_in_dim3A_174 = vector.shape_cast %or3A_173 : vector<1024xi32> to vector<1024x1xi32>
    %ge3A_175 = vector.broadcast %broadcast_in_dim3A_174 : vector<1024x1xi32> to vector<1024x512xi32>
    %ge3A_176 = arith.cmpi sge, %select_n3A, %ge3A_175 : vector<1024x512xi32>
    %convert_element_type3A_177 = arith.extui %ge3A_176 : vector<1024x512xi1> to vector<1024x512xi32>
    %convert_element_type3A_178 = arith.sitofp %convert_element_type3A_177 : vector<1024x512xi32> to vector<1024x512xf32>
    %reduce_sum3A_179 = arith.constant dense<0.000000e+00> : vector<1024xf32>
    %reduce_sum3A_180 = vector.multi_reduction <add>, %convert_element_type3A_178, %reduce_sum3A_179 [1] : vector<1024x512xf32> to vector<1024xf32>
    %ge3A_181 = arith.constant 6.400000e+01 : f32
    %ge3A_182 = vector.broadcast %ge3A_181 : f32 to vector<1024xf32>
    %ge3A_183 = arith.cmpf oge, %reduce_sum3A_180, %ge3A_182 : vector<1024xf32>
    %select_n3A_184 = arith.select %ge3A_183, %or3A_173, %select_n3A_170 : vector<1024xi1>, vector<1024xi32>
    %or3A_185 = arith.constant 262144 : i32
    %or3A_186 = vector.broadcast %or3A_185 : i32 to vector<1024xi32>
    %or3A_187 = arith.ori %select_n3A_184, %or3A_186 : vector<1024xi32>
    %broadcast_in_dim3A_188 = vector.shape_cast %or3A_187 : vector<1024xi32> to vector<1024x1xi32>
    %ge3A_189 = vector.broadcast %broadcast_in_dim3A_188 : vector<1024x1xi32> to vector<1024x512xi32>
    %ge3A_190 = arith.cmpi sge, %select_n3A, %ge3A_189 : vector<1024x512xi32>
    %convert_element_type3A_191 = arith.extui %ge3A_190 : vector<1024x512xi1> to vector<1024x512xi32>
    %convert_element_type3A_192 = arith.sitofp %convert_element_type3A_191 : vector<1024x512xi32> to vector<1024x512xf32>
    %reduce_sum3A_193 = arith.constant dense<0.000000e+00> : vector<1024xf32>
    %reduce_sum3A_194 = vector.multi_reduction <add>, %convert_element_type3A_192, %reduce_sum3A_193 [1] : vector<1024x512xf32> to vector<1024xf32>
    %ge3A_195 = arith.constant 6.400000e+01 : f32
    %ge3A_196 = vector.broadcast %ge3A_195 : f32 to vector<1024xf32>
    %ge3A_197 = arith.cmpf oge, %reduce_sum3A_194, %ge3A_196 : vector<1024xf32>
    %select_n3A_198 = arith.select %ge3A_197, %or3A_187, %select_n3A_184 : vector<1024xi1>, vector<1024xi32>
    %or3A_199 = arith.constant 131072 : i32
    %or3A_200 = vector.broadcast %or3A_199 : i32 to vector<1024xi32>
    %or3A_201 = arith.ori %select_n3A_198, %or3A_200 : vector<1024xi32>
    %broadcast_in_dim3A_202 = vector.shape_cast %or3A_201 : vector<1024xi32> to vector<1024x1xi32>
    %ge3A_203 = vector.broadcast %broadcast_in_dim3A_202 : vector<1024x1xi32> to vector<1024x512xi32>
    %ge3A_204 = arith.cmpi sge, %select_n3A, %ge3A_203 : vector<1024x512xi32>
    %convert_element_type3A_205 = arith.extui %ge3A_204 : vector<1024x512xi1> to vector<1024x512xi32>
    %convert_element_type3A_206 = arith.sitofp %convert_element_type3A_205 : vector<1024x512xi32> to vector<1024x512xf32>
    %reduce_sum3A_207 = arith.constant dense<0.000000e+00> : vector<1024xf32>
    %reduce_sum3A_208 = vector.multi_reduction <add>, %convert_element_type3A_206, %reduce_sum3A_207 [1] : vector<1024x512xf32> to vector<1024xf32>
    %ge3A_209 = arith.constant 6.400000e+01 : f32
    %ge3A_210 = vector.broadcast %ge3A_209 : f32 to vector<1024xf32>
    %ge3A_211 = arith.cmpf oge, %reduce_sum3A_208, %ge3A_210 : vector<1024xf32>
    %select_n3A_212 = arith.select %ge3A_211, %or3A_201, %select_n3A_198 : vector<1024xi1>, vector<1024xi32>
    %or3A_213 = arith.constant 65536 : i32
    %or3A_214 = vector.broadcast %or3A_213 : i32 to vector<1024xi32>
    %or3A_215 = arith.ori %select_n3A_212, %or3A_214 : vector<1024xi32>
    %broadcast_in_dim3A_216 = vector.shape_cast %or3A_215 : vector<1024xi32> to vector<1024x1xi32>
    %ge3A_217 = vector.broadcast %broadcast_in_dim3A_216 : vector<1024x1xi32> to vector<1024x512xi32>
    %ge3A_218 = arith.cmpi sge, %select_n3A, %ge3A_217 : vector<1024x512xi32>
    %convert_element_type3A_219 = arith.extui %ge3A_218 : vector<1024x512xi1> to vector<1024x512xi32>
    %convert_element_type3A_220 = arith.sitofp %convert_element_type3A_219 : vector<1024x512xi32> to vector<1024x512xf32>
    %reduce_sum3A_221 = arith.constant dense<0.000000e+00> : vector<1024xf32>
    %reduce_sum3A_222 = vector.multi_reduction <add>, %convert_element_type3A_220, %reduce_sum3A_221 [1] : vector<1024x512xf32> to vector<1024xf32>
    %ge3A_223 = arith.constant 6.400000e+01 : f32
    %ge3A_224 = vector.broadcast %ge3A_223 : f32 to vector<1024xf32>
    %ge3A_225 = arith.cmpf oge, %reduce_sum3A_222, %ge3A_224 : vector<1024xf32>
    %select_n3A_226 = arith.select %ge3A_225, %or3A_215, %select_n3A_212 : vector<1024xi1>, vector<1024xi32>
    %or3A_227 = arith.constant 32768 : i32
    %or3A_228 = vector.broadcast %or3A_227 : i32 to vector<1024xi32>
    %or3A_229 = arith.ori %select_n3A_226, %or3A_228 : vector<1024xi32>
    %broadcast_in_dim3A_230 = vector.shape_cast %or3A_229 : vector<1024xi32> to vector<1024x1xi32>
    %ge3A_231 = vector.broadcast %broadcast_in_dim3A_230 : vector<1024x1xi32> to vector<1024x512xi32>
    %ge3A_232 = arith.cmpi sge, %select_n3A, %ge3A_231 : vector<1024x512xi32>
    %convert_element_type3A_233 = arith.extui %ge3A_232 : vector<1024x512xi1> to vector<1024x512xi32>
    %convert_element_type3A_234 = arith.sitofp %convert_element_type3A_233 : vector<1024x512xi32> to vector<1024x512xf32>
    %reduce_sum3A_235 = arith.constant dense<0.000000e+00> : vector<1024xf32>
    %reduce_sum3A_236 = vector.multi_reduction <add>, %convert_element_type3A_234, %reduce_sum3A_235 [1] : vector<1024x512xf32> to vector<1024xf32>
    %ge3A_237 = arith.constant 6.400000e+01 : f32
    %ge3A_238 = vector.broadcast %ge3A_237 : f32 to vector<1024xf32>
    %ge3A_239 = arith.cmpf oge, %reduce_sum3A_236, %ge3A_238 : vector<1024xf32>
    %select_n3A_240 = arith.select %ge3A_239, %or3A_229, %select_n3A_226 : vector<1024xi1>, vector<1024xi32>
    %or3A_241 = arith.constant 16384 : i32
    %or3A_242 = vector.broadcast %or3A_241 : i32 to vector<1024xi32>
    %or3A_243 = arith.ori %select_n3A_240, %or3A_242 : vector<1024xi32>
    %broadcast_in_dim3A_244 = vector.shape_cast %or3A_243 : vector<1024xi32> to vector<1024x1xi32>
    %ge3A_245 = vector.broadcast %broadcast_in_dim3A_244 : vector<1024x1xi32> to vector<1024x512xi32>
    %ge3A_246 = arith.cmpi sge, %select_n3A, %ge3A_245 : vector<1024x512xi32>
    %convert_element_type3A_247 = arith.extui %ge3A_246 : vector<1024x512xi1> to vector<1024x512xi32>
    %convert_element_type3A_248 = arith.sitofp %convert_element_type3A_247 : vector<1024x512xi32> to vector<1024x512xf32>
    %reduce_sum3A_249 = arith.constant dense<0.000000e+00> : vector<1024xf32>
    %reduce_sum3A_250 = vector.multi_reduction <add>, %convert_element_type3A_248, %reduce_sum3A_249 [1] : vector<1024x512xf32> to vector<1024xf32>
    %ge3A_251 = arith.constant 6.400000e+01 : f32
    %ge3A_252 = vector.broadcast %ge3A_251 : f32 to vector<1024xf32>
    %ge3A_253 = arith.cmpf oge, %reduce_sum3A_250, %ge3A_252 : vector<1024xf32>
    %select_n3A_254 = arith.select %ge3A_253, %or3A_243, %select_n3A_240 : vector<1024xi1>, vector<1024xi32>
    %or3A_255 = arith.constant 8192 : i32
    %or3A_256 = vector.broadcast %or3A_255 : i32 to vector<1024xi32>
    %or3A_257 = arith.ori %select_n3A_254, %or3A_256 : vector<1024xi32>
    %broadcast_in_dim3A_258 = vector.shape_cast %or3A_257 : vector<1024xi32> to vector<1024x1xi32>
    %ge3A_259 = vector.broadcast %broadcast_in_dim3A_258 : vector<1024x1xi32> to vector<1024x512xi32>
    %ge3A_260 = arith.cmpi sge, %select_n3A, %ge3A_259 : vector<1024x512xi32>
    %convert_element_type3A_261 = arith.extui %ge3A_260 : vector<1024x512xi1> to vector<1024x512xi32>
    %convert_element_type3A_262 = arith.sitofp %convert_element_type3A_261 : vector<1024x512xi32> to vector<1024x512xf32>
    %reduce_sum3A_263 = arith.constant dense<0.000000e+00> : vector<1024xf32>
    %reduce_sum3A_264 = vector.multi_reduction <add>, %convert_element_type3A_262, %reduce_sum3A_263 [1] : vector<1024x512xf32> to vector<1024xf32>
    %ge3A_265 = arith.constant 6.400000e+01 : f32
    %ge3A_266 = vector.broadcast %ge3A_265 : f32 to vector<1024xf32>
    %ge3A_267 = arith.cmpf oge, %reduce_sum3A_264, %ge3A_266 : vector<1024xf32>
    %select_n3A_268 = arith.select %ge3A_267, %or3A_257, %select_n3A_254 : vector<1024xi1>, vector<1024xi32>
    %or3A_269 = arith.constant 4096 : i32
    %or3A_270 = vector.broadcast %or3A_269 : i32 to vector<1024xi32>
    %or3A_271 = arith.ori %select_n3A_268, %or3A_270 : vector<1024xi32>
    %broadcast_in_dim3A_272 = vector.shape_cast %or3A_271 : vector<1024xi32> to vector<1024x1xi32>
    %ge3A_273 = vector.broadcast %broadcast_in_dim3A_272 : vector<1024x1xi32> to vector<1024x512xi32>
    %ge3A_274 = arith.cmpi sge, %select_n3A, %ge3A_273 : vector<1024x512xi32>
    %convert_element_type3A_275 = arith.extui %ge3A_274 : vector<1024x512xi1> to vector<1024x512xi32>
    %convert_element_type3A_276 = arith.sitofp %convert_element_type3A_275 : vector<1024x512xi32> to vector<1024x512xf32>
    %reduce_sum3A_277 = arith.constant dense<0.000000e+00> : vector<1024xf32>
    %reduce_sum3A_278 = vector.multi_reduction <add>, %convert_element_type3A_276, %reduce_sum3A_277 [1] : vector<1024x512xf32> to vector<1024xf32>
    %ge3A_279 = arith.constant 6.400000e+01 : f32
    %ge3A_280 = vector.broadcast %ge3A_279 : f32 to vector<1024xf32>
    %ge3A_281 = arith.cmpf oge, %reduce_sum3A_278, %ge3A_280 : vector<1024xf32>
    %select_n3A_282 = arith.select %ge3A_281, %or3A_271, %select_n3A_268 : vector<1024xi1>, vector<1024xi32>
    %or3A_283 = arith.constant 2048 : i32
    %or3A_284 = vector.broadcast %or3A_283 : i32 to vector<1024xi32>
    %or3A_285 = arith.ori %select_n3A_282, %or3A_284 : vector<1024xi32>
    %broadcast_in_dim3A_286 = vector.shape_cast %or3A_285 : vector<1024xi32> to vector<1024x1xi32>
    %ge3A_287 = vector.broadcast %broadcast_in_dim3A_286 : vector<1024x1xi32> to vector<1024x512xi32>
    %ge3A_288 = arith.cmpi sge, %select_n3A, %ge3A_287 : vector<1024x512xi32>
    %convert_element_type3A_289 = arith.extui %ge3A_288 : vector<1024x512xi1> to vector<1024x512xi32>
    %convert_element_type3A_290 = arith.sitofp %convert_element_type3A_289 : vector<1024x512xi32> to vector<1024x512xf32>
    %reduce_sum3A_291 = arith.constant dense<0.000000e+00> : vector<1024xf32>
    %reduce_sum3A_292 = vector.multi_reduction <add>, %convert_element_type3A_290, %reduce_sum3A_291 [1] : vector<1024x512xf32> to vector<1024xf32>
    %ge3A_293 = arith.constant 6.400000e+01 : f32
    %ge3A_294 = vector.broadcast %ge3A_293 : f32 to vector<1024xf32>
    %ge3A_295 = arith.cmpf oge, %reduce_sum3A_292, %ge3A_294 : vector<1024xf32>
    %select_n3A_296 = arith.select %ge3A_295, %or3A_285, %select_n3A_282 : vector<1024xi1>, vector<1024xi32>
    %or3A_297 = arith.constant 1024 : i32
    %or3A_298 = vector.broadcast %or3A_297 : i32 to vector<1024xi32>
    %or3A_299 = arith.ori %select_n3A_296, %or3A_298 : vector<1024xi32>
    %broadcast_in_dim3A_300 = vector.shape_cast %or3A_299 : vector<1024xi32> to vector<1024x1xi32>
    %ge3A_301 = vector.broadcast %broadcast_in_dim3A_300 : vector<1024x1xi32> to vector<1024x512xi32>
    %ge3A_302 = arith.cmpi sge, %select_n3A, %ge3A_301 : vector<1024x512xi32>
    %convert_element_type3A_303 = arith.extui %ge3A_302 : vector<1024x512xi1> to vector<1024x512xi32>
    %convert_element_type3A_304 = arith.sitofp %convert_element_type3A_303 : vector<1024x512xi32> to vector<1024x512xf32>
    %reduce_sum3A_305 = arith.constant dense<0.000000e+00> : vector<1024xf32>
    %reduce_sum3A_306 = vector.multi_reduction <add>, %convert_element_type3A_304, %reduce_sum3A_305 [1] : vector<1024x512xf32> to vector<1024xf32>
    %ge3A_307 = arith.constant 6.400000e+01 : f32
    %ge3A_308 = vector.broadcast %ge3A_307 : f32 to vector<1024xf32>
    %ge3A_309 = arith.cmpf oge, %reduce_sum3A_306, %ge3A_308 : vector<1024xf32>
    %select_n3A_310 = arith.select %ge3A_309, %or3A_299, %select_n3A_296 : vector<1024xi1>, vector<1024xi32>
    %or3A_311 = arith.constant 512 : i32
    %or3A_312 = vector.broadcast %or3A_311 : i32 to vector<1024xi32>
    %or3A_313 = arith.ori %select_n3A_310, %or3A_312 : vector<1024xi32>
    %broadcast_in_dim3A_314 = vector.shape_cast %or3A_313 : vector<1024xi32> to vector<1024x1xi32>
    %ge3A_315 = vector.broadcast %broadcast_in_dim3A_314 : vector<1024x1xi32> to vector<1024x512xi32>
    %ge3A_316 = arith.cmpi sge, %select_n3A, %ge3A_315 : vector<1024x512xi32>
    %convert_element_type3A_317 = arith.extui %ge3A_316 : vector<1024x512xi1> to vector<1024x512xi32>
    %convert_element_type3A_318 = arith.sitofp %convert_element_type3A_317 : vector<1024x512xi32> to vector<1024x512xf32>
    %reduce_sum3A_319 = arith.constant dense<0.000000e+00> : vector<1024xf32>
    %reduce_sum3A_320 = vector.multi_reduction <add>, %convert_element_type3A_318, %reduce_sum3A_319 [1] : vector<1024x512xf32> to vector<1024xf32>
    %ge3A_321 = arith.constant 6.400000e+01 : f32
    %ge3A_322 = vector.broadcast %ge3A_321 : f32 to vector<1024xf32>
    %ge3A_323 = arith.cmpf oge, %reduce_sum3A_320, %ge3A_322 : vector<1024xf32>
    %select_n3A_324 = arith.select %ge3A_323, %or3A_313, %select_n3A_310 : vector<1024xi1>, vector<1024xi32>
    %or3A_325 = arith.constant 256 : i32
    %or3A_326 = vector.broadcast %or3A_325 : i32 to vector<1024xi32>
    %or3A_327 = arith.ori %select_n3A_324, %or3A_326 : vector<1024xi32>
    %broadcast_in_dim3A_328 = vector.shape_cast %or3A_327 : vector<1024xi32> to vector<1024x1xi32>
    %ge3A_329 = vector.broadcast %broadcast_in_dim3A_328 : vector<1024x1xi32> to vector<1024x512xi32>
    %ge3A_330 = arith.cmpi sge, %select_n3A, %ge3A_329 : vector<1024x512xi32>
    %convert_element_type3A_331 = arith.extui %ge3A_330 : vector<1024x512xi1> to vector<1024x512xi32>
    %convert_element_type3A_332 = arith.sitofp %convert_element_type3A_331 : vector<1024x512xi32> to vector<1024x512xf32>
    %reduce_sum3A_333 = arith.constant dense<0.000000e+00> : vector<1024xf32>
    %reduce_sum3A_334 = vector.multi_reduction <add>, %convert_element_type3A_332, %reduce_sum3A_333 [1] : vector<1024x512xf32> to vector<1024xf32>
    %ge3A_335 = arith.constant 6.400000e+01 : f32
    %ge3A_336 = vector.broadcast %ge3A_335 : f32 to vector<1024xf32>
    %ge3A_337 = arith.cmpf oge, %reduce_sum3A_334, %ge3A_336 : vector<1024xf32>
    %select_n3A_338 = arith.select %ge3A_337, %or3A_327, %select_n3A_324 : vector<1024xi1>, vector<1024xi32>
    %or3A_339 = arith.constant 128 : i32
    %or3A_340 = vector.broadcast %or3A_339 : i32 to vector<1024xi32>
    %or3A_341 = arith.ori %select_n3A_338, %or3A_340 : vector<1024xi32>
    %broadcast_in_dim3A_342 = vector.shape_cast %or3A_341 : vector<1024xi32> to vector<1024x1xi32>
    %ge3A_343 = vector.broadcast %broadcast_in_dim3A_342 : vector<1024x1xi32> to vector<1024x512xi32>
    %ge3A_344 = arith.cmpi sge, %select_n3A, %ge3A_343 : vector<1024x512xi32>
    %convert_element_type3A_345 = arith.extui %ge3A_344 : vector<1024x512xi1> to vector<1024x512xi32>
    %convert_element_type3A_346 = arith.sitofp %convert_element_type3A_345 : vector<1024x512xi32> to vector<1024x512xf32>
    %reduce_sum3A_347 = arith.constant dense<0.000000e+00> : vector<1024xf32>
    %reduce_sum3A_348 = vector.multi_reduction <add>, %convert_element_type3A_346, %reduce_sum3A_347 [1] : vector<1024x512xf32> to vector<1024xf32>
    %ge3A_349 = arith.constant 6.400000e+01 : f32
    %ge3A_350 = vector.broadcast %ge3A_349 : f32 to vector<1024xf32>
    %ge3A_351 = arith.cmpf oge, %reduce_sum3A_348, %ge3A_350 : vector<1024xf32>
    %select_n3A_352 = arith.select %ge3A_351, %or3A_341, %select_n3A_338 : vector<1024xi1>, vector<1024xi32>
    %or3A_353 = arith.constant 64 : i32
    %or3A_354 = vector.broadcast %or3A_353 : i32 to vector<1024xi32>
    %or3A_355 = arith.ori %select_n3A_352, %or3A_354 : vector<1024xi32>
    %broadcast_in_dim3A_356 = vector.shape_cast %or3A_355 : vector<1024xi32> to vector<1024x1xi32>
    %ge3A_357 = vector.broadcast %broadcast_in_dim3A_356 : vector<1024x1xi32> to vector<1024x512xi32>
    %ge3A_358 = arith.cmpi sge, %select_n3A, %ge3A_357 : vector<1024x512xi32>
    %convert_element_type3A_359 = arith.extui %ge3A_358 : vector<1024x512xi1> to vector<1024x512xi32>
    %convert_element_type3A_360 = arith.sitofp %convert_element_type3A_359 : vector<1024x512xi32> to vector<1024x512xf32>
    %reduce_sum3A_361 = arith.constant dense<0.000000e+00> : vector<1024xf32>
    %reduce_sum3A_362 = vector.multi_reduction <add>, %convert_element_type3A_360, %reduce_sum3A_361 [1] : vector<1024x512xf32> to vector<1024xf32>
    %ge3A_363 = arith.constant 6.400000e+01 : f32
    %ge3A_364 = vector.broadcast %ge3A_363 : f32 to vector<1024xf32>
    %ge3A_365 = arith.cmpf oge, %reduce_sum3A_362, %ge3A_364 : vector<1024xf32>
    %select_n3A_366 = arith.select %ge3A_365, %or3A_355, %select_n3A_352 : vector<1024xi1>, vector<1024xi32>
    %or3A_367 = arith.constant 32 : i32
    %or3A_368 = vector.broadcast %or3A_367 : i32 to vector<1024xi32>
    %or3A_369 = arith.ori %select_n3A_366, %or3A_368 : vector<1024xi32>
    %broadcast_in_dim3A_370 = vector.shape_cast %or3A_369 : vector<1024xi32> to vector<1024x1xi32>
    %ge3A_371 = vector.broadcast %broadcast_in_dim3A_370 : vector<1024x1xi32> to vector<1024x512xi32>
    %ge3A_372 = arith.cmpi sge, %select_n3A, %ge3A_371 : vector<1024x512xi32>
    %convert_element_type3A_373 = arith.extui %ge3A_372 : vector<1024x512xi1> to vector<1024x512xi32>
    %convert_element_type3A_374 = arith.sitofp %convert_element_type3A_373 : vector<1024x512xi32> to vector<1024x512xf32>
    %reduce_sum3A_375 = arith.constant dense<0.000000e+00> : vector<1024xf32>
    %reduce_sum3A_376 = vector.multi_reduction <add>, %convert_element_type3A_374, %reduce_sum3A_375 [1] : vector<1024x512xf32> to vector<1024xf32>
    %ge3A_377 = arith.constant 6.400000e+01 : f32
    %ge3A_378 = vector.broadcast %ge3A_377 : f32 to vector<1024xf32>
    %ge3A_379 = arith.cmpf oge, %reduce_sum3A_376, %ge3A_378 : vector<1024xf32>
    %select_n3A_380 = arith.select %ge3A_379, %or3A_369, %select_n3A_366 : vector<1024xi1>, vector<1024xi32>
    %or3A_381 = arith.constant 16 : i32
    %or3A_382 = vector.broadcast %or3A_381 : i32 to vector<1024xi32>
    %or3A_383 = arith.ori %select_n3A_380, %or3A_382 : vector<1024xi32>
    %broadcast_in_dim3A_384 = vector.shape_cast %or3A_383 : vector<1024xi32> to vector<1024x1xi32>
    %ge3A_385 = vector.broadcast %broadcast_in_dim3A_384 : vector<1024x1xi32> to vector<1024x512xi32>
    %ge3A_386 = arith.cmpi sge, %select_n3A, %ge3A_385 : vector<1024x512xi32>
    %convert_element_type3A_387 = arith.extui %ge3A_386 : vector<1024x512xi1> to vector<1024x512xi32>
    %convert_element_type3A_388 = arith.sitofp %convert_element_type3A_387 : vector<1024x512xi32> to vector<1024x512xf32>
    %reduce_sum3A_389 = arith.constant dense<0.000000e+00> : vector<1024xf32>
    %reduce_sum3A_390 = vector.multi_reduction <add>, %convert_element_type3A_388, %reduce_sum3A_389 [1] : vector<1024x512xf32> to vector<1024xf32>
    %ge3A_391 = arith.constant 6.400000e+01 : f32
    %ge3A_392 = vector.broadcast %ge3A_391 : f32 to vector<1024xf32>
    %ge3A_393 = arith.cmpf oge, %reduce_sum3A_390, %ge3A_392 : vector<1024xf32>
    %select_n3A_394 = arith.select %ge3A_393, %or3A_383, %select_n3A_380 : vector<1024xi1>, vector<1024xi32>
    %or3A_395 = arith.constant 8 : i32
    %or3A_396 = vector.broadcast %or3A_395 : i32 to vector<1024xi32>
    %or3A_397 = arith.ori %select_n3A_394, %or3A_396 : vector<1024xi32>
    %broadcast_in_dim3A_398 = vector.shape_cast %or3A_397 : vector<1024xi32> to vector<1024x1xi32>
    %ge3A_399 = vector.broadcast %broadcast_in_dim3A_398 : vector<1024x1xi32> to vector<1024x512xi32>
    %ge3A_400 = arith.cmpi sge, %select_n3A, %ge3A_399 : vector<1024x512xi32>
    %convert_element_type3A_401 = arith.extui %ge3A_400 : vector<1024x512xi1> to vector<1024x512xi32>
    %convert_element_type3A_402 = arith.sitofp %convert_element_type3A_401 : vector<1024x512xi32> to vector<1024x512xf32>
    %reduce_sum3A_403 = arith.constant dense<0.000000e+00> : vector<1024xf32>
    %reduce_sum3A_404 = vector.multi_reduction <add>, %convert_element_type3A_402, %reduce_sum3A_403 [1] : vector<1024x512xf32> to vector<1024xf32>
    %ge3A_405 = arith.constant 6.400000e+01 : f32
    %ge3A_406 = vector.broadcast %ge3A_405 : f32 to vector<1024xf32>
    %ge3A_407 = arith.cmpf oge, %reduce_sum3A_404, %ge3A_406 : vector<1024xf32>
    %select_n3A_408 = arith.select %ge3A_407, %or3A_397, %select_n3A_394 : vector<1024xi1>, vector<1024xi32>
    %or3A_409 = arith.constant 4 : i32
    %or3A_410 = vector.broadcast %or3A_409 : i32 to vector<1024xi32>
    %or3A_411 = arith.ori %select_n3A_408, %or3A_410 : vector<1024xi32>
    %broadcast_in_dim3A_412 = vector.shape_cast %or3A_411 : vector<1024xi32> to vector<1024x1xi32>
    %ge3A_413 = vector.broadcast %broadcast_in_dim3A_412 : vector<1024x1xi32> to vector<1024x512xi32>
    %ge3A_414 = arith.cmpi sge, %select_n3A, %ge3A_413 : vector<1024x512xi32>
    %convert_element_type3A_415 = arith.extui %ge3A_414 : vector<1024x512xi1> to vector<1024x512xi32>
    %convert_element_type3A_416 = arith.sitofp %convert_element_type3A_415 : vector<1024x512xi32> to vector<1024x512xf32>
    %reduce_sum3A_417 = arith.constant dense<0.000000e+00> : vector<1024xf32>
    %reduce_sum3A_418 = vector.multi_reduction <add>, %convert_element_type3A_416, %reduce_sum3A_417 [1] : vector<1024x512xf32> to vector<1024xf32>
    %ge3A_419 = arith.constant 6.400000e+01 : f32
    %ge3A_420 = vector.broadcast %ge3A_419 : f32 to vector<1024xf32>
    %ge3A_421 = arith.cmpf oge, %reduce_sum3A_418, %ge3A_420 : vector<1024xf32>
    %select_n3A_422 = arith.select %ge3A_421, %or3A_411, %select_n3A_408 : vector<1024xi1>, vector<1024xi32>
    %or3A_423 = arith.constant 2 : i32
    %or3A_424 = vector.broadcast %or3A_423 : i32 to vector<1024xi32>
    %or3A_425 = arith.ori %select_n3A_422, %or3A_424 : vector<1024xi32>
    %broadcast_in_dim3A_426 = vector.shape_cast %or3A_425 : vector<1024xi32> to vector<1024x1xi32>
    %ge3A_427 = vector.broadcast %broadcast_in_dim3A_426 : vector<1024x1xi32> to vector<1024x512xi32>
    %ge3A_428 = arith.cmpi sge, %select_n3A, %ge3A_427 : vector<1024x512xi32>
    %convert_element_type3A_429 = arith.extui %ge3A_428 : vector<1024x512xi1> to vector<1024x512xi32>
    %convert_element_type3A_430 = arith.sitofp %convert_element_type3A_429 : vector<1024x512xi32> to vector<1024x512xf32>
    %reduce_sum3A_431 = arith.constant dense<0.000000e+00> : vector<1024xf32>
    %reduce_sum3A_432 = vector.multi_reduction <add>, %convert_element_type3A_430, %reduce_sum3A_431 [1] : vector<1024x512xf32> to vector<1024xf32>
    %ge3A_433 = arith.constant 6.400000e+01 : f32
    %ge3A_434 = vector.broadcast %ge3A_433 : f32 to vector<1024xf32>
    %ge3A_435 = arith.cmpf oge, %reduce_sum3A_432, %ge3A_434 : vector<1024xf32>
    %select_n3A_436 = arith.select %ge3A_435, %or3A_425, %select_n3A_422 : vector<1024xi1>, vector<1024xi32>
    %or3A_437 = arith.constant 1 : i32
    %or3A_438 = vector.broadcast %or3A_437 : i32 to vector<1024xi32>
    %or3A_439 = arith.ori %select_n3A_436, %or3A_438 : vector<1024xi32>
    %broadcast_in_dim3A_440 = vector.shape_cast %or3A_439 : vector<1024xi32> to vector<1024x1xi32>
    %ge3A_441 = vector.broadcast %broadcast_in_dim3A_440 : vector<1024x1xi32> to vector<1024x512xi32>
    %ge3A_442 = arith.cmpi sge, %select_n3A, %ge3A_441 : vector<1024x512xi32>
    %convert_element_type3A_443 = arith.extui %ge3A_442 : vector<1024x512xi1> to vector<1024x512xi32>
    %convert_element_type3A_444 = arith.sitofp %convert_element_type3A_443 : vector<1024x512xi32> to vector<1024x512xf32>
    %reduce_sum3A_445 = arith.constant dense<0.000000e+00> : vector<1024xf32>
    %reduce_sum3A_446 = vector.multi_reduction <add>, %convert_element_type3A_444, %reduce_sum3A_445 [1] : vector<1024x512xf32> to vector<1024xf32>
    %ge3A_447 = arith.constant 6.400000e+01 : f32
    %ge3A_448 = vector.broadcast %ge3A_447 : f32 to vector<1024xf32>
    %ge3A_449 = arith.cmpf oge, %reduce_sum3A_446, %ge3A_448 : vector<1024xf32>
    %select_n3A_450 = arith.select %ge3A_449, %or3A_439, %select_n3A_436 : vector<1024xi1>, vector<1024xi32>
    %broadcast_in_dim3A_451 = vector.shape_cast %select_n3A_450 : vector<1024xi32> to vector<1024x1xi32>
    %gt3A = vector.broadcast %broadcast_in_dim3A_451 : vector<1024x1xi32> to vector<1024x512xi32>
    %gt3A_452 = arith.cmpi sgt, %select_n3A, %gt3A : vector<1024x512xi32>
    %eq3A = vector.broadcast %broadcast_in_dim3A_451 : vector<1024x1xi32> to vector<1024x512xi32>
    %eq3A_453 = arith.cmpi eq, %select_n3A, %eq3A : vector<1024x512xi32>
    %convert_element_type3A_454 = arith.extui %gt3A_452 : vector<1024x512xi1> to vector<1024x512xi32>
    %convert_element_type3A_455 = arith.sitofp %convert_element_type3A_454 : vector<1024x512xi32> to vector<1024x512xf32>
    %reduce_sum3A_456 = arith.constant dense<0.000000e+00> : vector<1024xf32>
    %reduce_sum3A_457 = vector.multi_reduction <add>, %convert_element_type3A_455, %reduce_sum3A_456 [1] : vector<1024x512xf32> to vector<1024xf32>
    %broadcast_in_dim3A_458 = vector.shape_cast %reduce_sum3A_457 : vector<1024xf32> to vector<1024x1xf32>
    %sub3A_459 = arith.constant 6.400000e+01 : f32
    %sub3A_460 = vector.broadcast %sub3A_459 : f32 to vector<1024x1xf32>
    %sub3A_461 = arith.subf %sub3A_460, %broadcast_in_dim3A_458 : vector<1024x1xf32>
    %convert_element_type3A_462 = arith.extui %eq3A_453 : vector<1024x512xi1> to vector<1024x512xi32>
    %convert_element_type3A_463 = arith.sitofp %convert_element_type3A_462 : vector<1024x512xi32> to vector<1024x512xf32>
    %convert_element_type3A_464 = arith.truncf %convert_element_type3A_463 : vector<1024x512xf32> to vector<1024x512xbf16>
    %get3A_465 = arith.constant 0 : index
    %get3A_466 = arith.constant 0 : index
    %get3A_467 = vector.load %arg7[%get3A_465, %get3A_466] : memref<512x512xbf16, #tpu.memory_space<vmem>>, vector<512x512xbf16>
    %dot_general3A = arith.constant dense<0.000000e+00> : vector<1024x512xf32>
    %dot_general3A_468 = tpu.matmul %convert_element_type3A_464, %get3A_467, %dot_general3A {dimension_numbers = #tpu.dot_dimension_numbers<[1], [0], [0], [1], [0, 0, 1, 1], [], []>, transpose_lhs_hint = false} : vector<1024x512xbf16>, vector<512x512xbf16>, vector<1024x512xf32> -> vector<1024x512xf32>
    %le3A = vector.broadcast %sub3A_461 : vector<1024x1xf32> to vector<1024x512xf32>
    %le3A_469 = arith.cmpf ole, %dot_general3A_468, %le3A : vector<1024x512xf32>
    %and3A = arith.andi %eq3A_453, %le3A_469 : vector<1024x512xi1>
    %or3A_470 = arith.ori %gt3A_452, %and3A : vector<1024x512xi1>
    %get3A_471 = arith.constant 0 : index
    %get3A_472 = arith.constant 0 : index
    %get3A_473 = vector.load %arg1[%get3A_471, %get3A_472] : memref<1024x512xf32, #tpu.memory_space<vmem>>, vector<1024x512xf32>
    %jit3A = arith.constant 0.000000e+00 : f32
    %broadcast_in_dim3A_474 = vector.broadcast %jit3A : f32 to vector<1024x512xf32>
    %select_n3A_475 = arith.select %or3A_470, %get3A_473, %broadcast_in_dim3A_474 : vector<1024x512xi1>, vector<1024x512xf32>
    %add3A = arith.addf %get3A_1, %select_n3A_475 : vector<1024x512xf32>
    %get3A_476 = arith.constant 0 : index
    %get3A_477 = arith.constant 0 : index
    %get3A_478 = vector.load %arg5[%get3A_476, %get3A_477] : memref<512x128xf32, #tpu.memory_space<vmem>>, vector<512x128xf32>
    %get3A_479 = arith.constant 0 : index
    %get3A_480 = arith.constant 0 : index
    %get3A_481 = vector.load %arg6[%get3A_479, %get3A_480] : memref<512x128xf32, #tpu.memory_space<vmem>>, vector<512x128xf32>
    %dot_general3A_482 = arith.constant dense<0.000000e+00> : vector<1024x128xf32>
    %dot_general3A_483 = tpu.matmul %add3A, %get3A_478, %dot_general3A_482 {dimension_numbers = #tpu.dot_dimension_numbers<[1], [0], [0], [1], [0, 0, 1, 1], [], []>, transpose_lhs_hint = false} : vector<1024x512xf32>, vector<512x128xf32>, vector<1024x128xf32> -> vector<1024x128xf32>
    %swap3A = arith.constant 0 : index
    %swap3A_484 = arith.constant 0 : index
    %swap3A_485 = vector.load %arg8[%swap3A, %swap3A_484] : memref<1024x128xf32, #tpu.memory_space<vmem>>, vector<1024x128xf32>
    tpu.vector_store %arg8[%swap3A, %swap3A_484], %dot_general3A_483 {strides = array<i32>} : memref<1024x128xf32, #tpu.memory_space<vmem>>, vector<1024x128xf32>,
    %get3A_486 = arith.constant 0 : index
    %get3A_487 = arith.constant 0 : index
    %get3A_488 = vector.load %arg3[%get3A_486, %get3A_487] : memref<1024x512xf32, #tpu.memory_space<vmem>>, vector<1024x512xf32>
    %dot_general3A_489 = arith.constant dense<0.000000e+00> : vector<1024x128xf32>
    %dot_general3A_490 = tpu.matmul %get3A_488, %get3A_481, %dot_general3A_489 {dimension_numbers = #tpu.dot_dimension_numbers<[1], [0], [0], [1], [0, 0, 1, 1], [], []>, transpose_lhs_hint = false} : vector<1024x512xf32>, vector<512x128xf32>, vector<1024x128xf32> -> vector<1024x128xf32>
    %swap3A_491 = arith.constant 0 : index
    %swap3A_492 = arith.constant 0 : index
    %swap3A_493 = vector.load %arg9[%swap3A_491, %swap3A_492] : memref<1024x128xf32, #tpu.memory_space<vmem>>, vector<1024x128xf32>
    tpu.vector_store %arg9[%swap3A_491, %swap3A_492], %dot_general3A_490 {strides = array<i32>} : memref<1024x128xf32, #tpu.memory_space<vmem>>, vector<1024x128xf32>,
    %get3A_494 = arith.constant 0 : index
    %get3A_495 = arith.constant 0 : index
    %get3A_496 = vector.load %arg4[%get3A_494, %get3A_495] : memref<1024x512xf32, #tpu.memory_space<vmem>>, vector<1024x512xf32>
    %dot_general3A_497 = arith.constant dense<0.000000e+00> : vector<1024x128xf32>
    %dot_general3A_498 = tpu.matmul %get3A_496, %get3A_481, %dot_general3A_497 {dimension_numbers = #tpu.dot_dimension_numbers<[1], [0], [0], [1], [0, 0, 1, 1], [], []>, transpose_lhs_hint = false} : vector<1024x512xf32>, vector<512x128xf32>, vector<1024x128xf32> -> vector<1024x128xf32>
    %swap3A_499 = arith.constant 0 : index
    %swap3A_500 = arith.constant 0 : index
    %swap3A_501 = vector.load %arg10[%swap3A_499, %swap3A_500] : memref<1024x128xf32, #tpu.memory_space<vmem>>, vector<1024x128xf32>
    tpu.vector_store %arg10[%swap3A_499, %swap3A_500], %dot_general3A_498 {strides = array<i32>} : memref<1024x128xf32, #tpu.memory_space<vmem>>, vector<1024x128xf32>,
    %eq3A_502 = arith.constant 0 : i32
    %eq3A_503 = arith.cmpi eq, %arg0, %eq3A_502 : i32
    %convert_element_type3A_504 = arith.extui %eq3A_503 : i1 to i32
    %cond3A = arith.constant 0 : i32
    %cond3A_505 = arith.cmpi ne, %convert_element_type3A_504, %cond3A : i32
    scf.if %cond3A_505 {
      %swap3A_520 = arith.constant 0.000000e+00 : f32
      %swap3A_521 = arith.constant 0 : index
      %swap3A_522 = memref.load %arg12[%swap3A_521] : memref<1xf32, #tpu.memory_space<smem>>
      memref.store %swap3A_520, %arg12[%swap3A_521] : memref<1xf32, #tpu.memory_space<smem>>
    } else {
    }
    %get3A_506 = arith.constant 0 : index
    %get3A_507 = memref.load %arg12[%get3A_506] : memref<1xf32, #tpu.memory_space<smem>>
    %mul3A = arith.mulf %select_n3A_475, %select_n3A_475 : vector<1024x512xf32>
    %reduce_sum3A_508 = vector.shape_cast %mul3A : vector<1024x512xf32> to vector<1x1024x512xf32>
    %reduce_sum3A_509 = arith.constant dense<0.000000e+00> : vector<1xf32>
    %reduce_sum3A_510 = vector.multi_reduction <add>, %reduce_sum3A_508, %reduce_sum3A_509 [1, 2] : vector<1x1024x512xf32> to vector<1xf32>
    %reduce_sum3A_511 = vector.shape_cast %reduce_sum3A_510 : vector<1xf32> to vector<1x1x1xf32>
    %reduce_sum3A_512 = vector.extract %reduce_sum3A_511[0, 0, 0] : f32 from vector<1x1x1xf32>
    %add3A_513 = arith.addf %get3A_507, %reduce_sum3A_512 : f32
    %swap3A_514 = arith.constant 0 : index
    %swap3A_515 = memref.load %arg12[%swap3A_514] : memref<1xf32, #tpu.memory_space<smem>>
    memref.store %add3A_513, %arg12[%swap3A_514] : memref<1xf32, #tpu.memory_space<smem>>
    %get3A_516 = arith.constant 0 : index
    %get3A_517 = memref.load %arg12[%get3A_516] : memref<1xf32, #tpu.memory_space<smem>>
    %swap3A_518 = arith.constant 0 : index
    %swap3A_519 = memref.load %arg11[%swap3A_518] : memref<1xf32, #tpu.memory_space<smem>>
    memref.store %get3A_517, %arg11[%swap3A_518] : memref<1xf32, #tpu.memory_space<smem>>
    return
  }
  func.func @transform_0(%arg0: i32) -> (i32, i32) {
    %c0_i32 = arith.constant 0 : i32
    %c0_i32_0 = arith.constant 0 : i32
    return %arg0, %c0_i32 : i32, i32
  }
  func.func @transform_1(%arg0: i32) -> (i32, i32) {
    %c0_i32 = arith.constant 0 : i32
    %c0_i32_0 = arith.constant 0 : i32
    return %arg0, %c0_i32 : i32, i32
  }
  func.func @transform_2(%arg0: i32) -> (i32, i32) {
    %c0_i32 = arith.constant 0 : i32
    %c0_i32_0 = arith.constant 0 : i32
    return %arg0, %c0_i32 : i32, i32
  }
  func.func @transform_3(%arg0: i32) -> (i32, i32) {
    %c0_i32 = arith.constant 0 : i32
    %c0_i32_0 = arith.constant 0 : i32
    return %arg0, %c0_i32 : i32, i32
  }
  func.func @transform_4(%arg0: i32) -> (i32, i32) {
    %c0_i32 = arith.constant 0 : i32
    %c0_i32_0 = arith.constant 0 : i32
    %c0_i32_1 = arith.constant 0 : i32
    return %c0_i32, %c0_i32_0 : i32, i32
  }
  func.func @transform_5(%arg0: i32) -> (i32, i32) {
    %c0_i32 = arith.constant 0 : i32
    %c0_i32_0 = arith.constant 0 : i32
    %c0_i32_1 = arith.constant 0 : i32
    return %c0_i32, %c0_i32_0 : i32, i32
  }
  func.func @transform_6(%arg0: i32) -> (i32, i32) {
    %c0_i32 = arith.constant 0 : i32
    %c0_i32_0 = arith.constant 0 : i32
    %c0_i32_1 = arith.constant 0 : i32
    return %c0_i32, %c0_i32_0 : i32, i32
  }
  func.func @transform_7(%arg0: i32) -> (i32, i32) {
    %c0_i32 = arith.constant 0 : i32
    %c0_i32_0 = arith.constant 0 : i32
    return %arg0, %c0_i32 : i32, i32
  }
  func.func @transform_8(%arg0: i32) -> (i32, i32) {
    %c0_i32 = arith.constant 0 : i32
    %c0_i32_0 = arith.constant 0 : i32
    return %arg0, %c0_i32 : i32, i32
  }
  func.func @transform_9(%arg0: i32) -> (i32, i32) {
    %c0_i32 = arith.constant 0 : i32
    %c0_i32_0 = arith.constant 0 : i32
    return %arg0, %c0_i32 : i32, i32
  }
  func.func @transform_10(%arg0: i32) -> i32 {
    %c0_i32 = arith.constant 0 : i32
    %c0_i32_0 = arith.constant 0 : i32
    return %c0_i32 : i32
  }
}

</mosaic_0001>

<sc_bundles>
// kernel: kernel.5.cloned.1.call-start
scs
__scs_entry_jumppad:
0x0: {  	(pc) =	sbr.rel $0x88, $3  }
0x1: {  	(tag) =	ssettag $0x0;
	lr =	simm.s32 $0x1  }
0x2: {  	[smem:$0x3F96] =	sst lr;
	_ =	strace $0xD0000000  }
0x3: {  	_ = 	snop  }
0x4: {  	_ = 	snop  }
0x5: {  	_ = 	snop  }
0x6: {  	_ = 	snop  }
0x7: {  	_ = 	snop  }
__scs_overlays_trampoline_lowered:
0x8: {  	[smem:$0x3FA5] =	sst s0  }
0x9: {  	[smem:$0x3FA6] =	sst s1  }
0xa: {  	[smem:$0x3FA7] =	sst s2  }
0xb: {  	[smem:$0x3FA8] =	sst s3  }
0xc: {  	[smem:$0x3FA9] =	sst s4  }
0xd: {  	[smem:$0x3FAA] =	sst s5  }
0xe: {  	[smem:$0x3FAB] =	sst s6  }
0xf: {  	[smem:$0x3FAC] =	sst s7  }
0x10: {  	[smem:$0x3FAD] =	sst s8  }
0x11: {  	[smem:$0x3FAE] =	sst s9;
	s0 =	simm.s32 @!p0 $0x0  }
0x12: {  	s1 =	sld [smem:$0x3F94];
	s0 =	simm.s32 @p0 $0x1  }
0x13: {  	[smem:$0x3FAF] =	sst s0;
	s0 =	simm.s32 @!p1 $0x0  }
0x14: {  	s2 =	sld [smem:$0x3F93];
	s0 =	simm.s32 @p1 $0x1  }
0x15: {  	[smem:$0x3FB0] =	sst s0;
	s0 =	simm.s32 @!p2 $0x0  }
0x16: {  	s3 =	sld [smem:$0x3FDB];
	s0 =	simm.s32 @p2 $0x1  }
0x17: {  	s4 =	simm.s32 $0x1BF5;
	[smem:$0x3FB2] =	sst s0  }
0x18: {  	s0 =	sld [smem:$0x3F95];
	_ =	swait.ge [sflag:s4], $0x0  }
0x19: {  	s7 =	sld [smem:$0x3F96]  }
0x1a: {  	s8 =	sadd.s32 $0xFFFFE003, lr  }
0x1b: {  	s9 =	sadd.s32 $0xFFFFFEF7, lr;
	s5 =	simm.s32 $0xFFFFFFFF;
	p2 =	slt.u32 s8, $0xFFFFF086  }
0x1c: {  	p1 =	slt.u32 s9, $0xF7A;
	s5 =	simm.s32 @!p2 $0x0  }
0x1d: {  	s5 =	simm.s32 @p1 $0x1;
	p0 =	seq.s32 s7, s2  }
0x1e: {  	s7 =	smul.u32 @!p0 $0xF7A, s2;
	p2 =	seq.s32 @!p0 s5, $0x0  }
0x1f: {  	s9 =	smul.u32 $0xF7A, s1;
	s8 =	simm.s32 @!p0 $0x1BF5;
	p2 =	por !p2, p0  }
0x20: {  	[sflag:s8] =	ssyncset.s32 @!p0 $0xFFFFF086;
	s6 =	sadd.s32 @!p0 s3, s7;
	s7 =	simm.s32 @!p0 $0x108  }
0x21: {  	s3 =	sadd.s32 s3, s9;
	s6 =	sadd.s32 @!p0 $0x88, s6;
	s7 =	simm.s32 @p2 $0x1082  }
0x22: {  	[simem:s7], [sflag:s8] =	dma.local @!p0 [hbm:s6], $0xF7A  }
0x23: {  	s9 =	sor.u32 $0xD0000000, s2;
	s6 =	simm.s32 $0x108;
	_ =	swait.ge @!p0 [sflag:s8], $0x0  }
0x24: {  	s3 =	sadd.s32 $0x88, s3;
	s6 =	simm.s32 @!p1 $0x1082;
	[sflag:s4] =	ssyncset.s32 $0xFFFFF086  }
0x25: {  	[simem:s6], [sflag:s4] =	dma.local [hbm:s3], $0xF7A  }
0x26: {  	[smem:$0x3F96] =	sst s1;
	(tag) =	ssettag s2;
	_ =	strace s9  }
0x27: {  	s1 =	sld [smem:$0x3FA6]  }
0x28: {  	s2 =	sld [smem:$0x3FA7]  }
0x29: {  	s4 =	sld [smem:$0x3FA9]  }
0x2a: {  	p0 =	seq.s32 s5, $0x0;
	s5 =	sld [smem:$0x3FAA]  }
0x2b: {  	s6 =	sld [smem:$0x3FAB]  }
0x2c: {  	s7 =	sld [smem:$0x3FAC]  }
0x2d: {  	s3 =	simm.s32 $0x108;
	s8 =	sld [smem:$0x3FAD]  }
0x2e: {  	s3 =	simm.s32 @!p0 $0x1082;
	s9 =	sld [smem:$0x3FAE]  }
0x2f: {  	lr =	sadd.s32 s0, s3;
	s0 =	sld [smem:$0x3FA5]  }
0x30: {  	s3 =	sld [smem:$0x3FA8]  }
0x31: {  	[smem:$0x3FB1] =	sst s10  }
0x32: {  	s10 =	sld [smem:$0x3FAF];
	_ =	sdelay $0x3  }
0x33: {  	p0 =	seq.s32 s10, $0x1;
	s10 =	sld [smem:$0x3FB1];
	_ =	sdelay $0x3  }
0x34: {  	[smem:$0x3FB1] =	sst s10  }
0x35: {  	s10 =	sld [smem:$0x3FB0];
	_ =	sdelay $0x3  }
0x36: {  	p1 =	seq.s32 s10, $0x1;
	s10 =	sld [smem:$0x3FB1];
	_ =	sdelay $0x3  }
0x37: {  	[smem:$0x3FB1] =	sst s10  }
0x38: {  	s10 =	sld [smem:$0x3FB2]  }
0x39: {  	_ = 	snop;
	(pc) =	sbr.ind lr, $3  }
0x3a: {  	_ = 	snop  }
0x3b: {  	_ = 	snop  }
0x3c: {  	p2 =	seq.s32 s10, $0x1;
	s10 =	sld [smem:$0x3FB1]  }
0x3d: {  	_ =	shalt  }
0x3e: {  	_ =	shalt  }
0x3f: {  	_ =	shalt  }
0x40: {  	_ =	shalt  }
0x41: {  	_ =	shalt  }
0x42: {  	_ =	shalt  }
0x43: {  	_ =	shalt  }
0x44: {  	_ =	shalt  }
0x45: {  	_ =	shalt  }
0x46: {  	_ =	shalt  }
0x47: {  	_ =	shalt  }
0x48: {  	_ =	shalt  }
0x49: {  	_ =	shalt  }
0x4a: {  	_ =	shalt  }
0x4b: {  	_ =	shalt  }
0x4c: {  	_ =	shalt  }
0x4d: {  	_ =	shalt  }
0x4e: {  	_ =	shalt  }
0x4f: {  	_ =	shalt  }
0x50: {  	_ =	shalt  }
0x51: {  	_ =	shalt  }
0x52: {  	_ =	shalt  }
0x53: {  	_ =	shalt  }
0x54: {  	_ =	shalt  }
0x55: {  	_ =	shalt  }
0x56: {  	_ =	shalt  }
0x57: {  	_ =	shalt  }
0x58: {  	_ =	shalt  }
0x59: {  	_ =	shalt  }
0x5a: {  	_ =	shalt  }
0x5b: {  	_ =	shalt  }
0x5c: {  	_ =	shalt  }
0x5d: {  	_ =	shalt  }
0x5e: {  	_ =	shalt  }
0x5f: {  	_ =	shalt  }
0x60: {  	_ =	shalt  }
0x61: {  	_ =	shalt  }
0x62: {  	_ =	shalt  }
0x63: {  	_ =	shalt  }
0x64: {  	_ =	shalt  }
0x65: {  	_ =	shalt  }
0x66: {  	_ =	shalt  }
0x67: {  	_ =	shalt  }
0x68: {  	_ =	shalt  }
0x69: {  	_ =	shalt  }
0x6a: {  	_ =	shalt  }
0x6b: {  	_ =	shalt  }
0x6c: {  	_ =	shalt  }
0x6d: {  	_ =	shalt  }
0x6e: {  	_ =	shalt  }
0x6f: {  	_ =	shalt  }
0x70: {  	_ =	shalt  }
0x71: {  	_ =	shalt  }
0x72: {  	_ =	shalt  }
0x73: {  	_ =	shalt  }
0x74: {  	_ =	shalt  }
0x75: {  	_ =	shalt  }
0x76: {  	_ =	shalt  }
0x77: {  	_ =	shalt  }
0x78: {  	_ =	shalt  }
0x79: {  	_ =	shalt  }
0x7a: {  	_ =	shalt  }
0x7b: {  	_ =	shalt  }
0x7c: {  	_ =	shalt  }
0x7d: {  	_ =	shalt  }
0x7e: {  	_ =	shalt  }
0x7f: {  	_ =	shalt  }
0x80: {  	_ =	shalt  }
0x81: {  	_ =	shalt  }
0x82: {  	_ =	shalt  }
0x83: {  	_ =	shalt  }
0x84: {  	_ =	shalt  }
0x85: {  	_ =	shalt  }
0x86: {  	_ =	shalt  }
0x87: {  	_ =	shalt  }
.Lfunc_end0:
.L_simem_size_0:
called_computation_lowered:
.L_overlay_start_0:
0x88: {  	s2 =	sld [smem:$0x3FD9]  }
0x89: {  	s3 =	sld [smem:$0x3FFE];
	_ =	sdelay $0x1  }
0x8a: {  	s1 =	srdreg.scid  }
0x8b: {  	s0 =	sand.u32 $0x1, s1  }
0x8c: {  	s17 =	sshll.u32 s0, $0xA;
	s2 =	sadd.s32 s3, s2  }
0x8d: {  	s2 =	sadd.s32 s2, s17  }
0x8e: {  	[smem:$0x3FBD] =	sst s2  }
0x8f: {  	_ = 	snop  }
0x90: {  	s2 =	sld [smem:$0x3FC3]  }
0x91: {  	s18 =	sld [smem:$0x3FC2]  }
0x92: {  	s4 =	sld [smem:$0x3FC1]  }
0x93: {  	s5 =	sld [smem:$0x3FC0]  }
0x94: {  	s6 =	sld [smem:$0x3FBF];
	(tm) =	ssettm $0x1  }
0x95: {  	s7 =	sld [smem:$0x3FFB];
	_ =	sdelay $0x3  }
0x96: {  	_ =	strace s7  }
0x97: {  	s7 =	sld [smem:$0x3FFC];
	_ =	sdelay $0x3  }
0x98: {  	_ =	strace s7  }
0x99: {  	s7 =	sld [smem:$0x3FFD];
	_ =	sdelay $0x3  }
0x9a: {  	_ =	strace s7  }
0x9b: {  	_ =	strace $0x8FFFFFFF  }
0x9c: {  	s19 =	sld [smem:$0x3FDB];
	_ =	sdelay $0x1  }
0x9d: {  	s8 =	simm.s32 $_scs_section_size  }
0x9e: {  	s9 =	simm.s32 $_size__tile_overlayer_lowered;
	s10 =	simm.s32 $_tile_overlayer_lowered  }
0x9f: {  	s22 =	simm.s32 $0x1BFF;
	s21 =	sshll.u32 s10, $0x1;
	s7 =	sadd.s32 s8, s19  }
0xa0: {  	s11 =	simm.s32 $0x0;
	s20 =	sshll.u32 s9, $0x1;
	s9 =	sadd.s32 s21, s7  }
0xa1: {  	[timem:s11], [sflag:s22] =	dma.local [hbm:s9], s20  }
0xa2: {  	_ =	swait.ge [sflag:s22], s20  }
0xa3: {  	s8 =	ssub.s32 $0x0, s20;
	[sflag:s22] =	ssyncset.done $0x0  }
0xa4: {  	[sflag:s22] =	ssyncadd.s32 s8;
	_ =	sdelay $0x1  }
0xa5: {  	s23 =	simm.s32 $0x1B8B  }
0xa6: {  	_ =	swait.ge [sflag:s23], $0x1  }
0xa7: {  	[sflag:s23] =	ssyncset.done $0x0  }
0xa8: {  	s25 =	simm.s32 $0x1B8E;
	s24 =	sld [smem:$0x3FFE];
	[sflag:s23] =	ssyncadd.s32 $0xFFFFFFFF  }
0xa9: {  	s26 =	simm.s32 $execute0_lowered;
	[smem:$0x3FD2] =	sst s25  }
0xaa: {  	s9 =	sshll.u32 s26, $0x1;
	_ =	strace $0x80000046;
	[dreg:$0x1] =	wrdreg $0xFFFFFFFF  }
0xab: {  	s28 =	simm.s32 $_size_execute0_lowered;
	s7 =	sadd.s32 s7, s9;
	[dreg:$0x0] =	wrdreg $0x0  }
0xac: {  	s9 =	sshll.u32 s28, $0x1;
	[dreg:$0x2] =	wrdreg s7  }
0xad: {  	[dreg:$0x3] =	wrdreg s9  }
0xae: {  	[dreg:$0x4] =	wrdreg $0xC0  }
0xaf: {  	_ =	task [dreg:s11], $0x5FFFF  }
0xb0: {  	[dreg:$0x1] =	wrdreg $0xFFFFFFFF  }
0xb1: {  	[dreg:$0x0] =	wrdreg $0x60  }
0xb2: {  	[dreg:$0x2] =	wrdreg s4  }
0xb3: {  	[dreg:$0x3] =	wrdreg s5  }
0xb4: {  	[dreg:$0x4] =	wrdreg s6  }
0xb5: {  	[dreg:$0x5] =	wrdreg s2  }
0xb6: {  	[dreg:$0x6] =	wrdreg s18  }
0xb7: {  	[dreg:$0x7] =	wrdreg s24  }
0xb8: {  	[dreg:$0x8] =	wrdreg $0x9  }
0xb9: {  	_ =	task.clear_ibuf [dreg:s11], $0x9FFFF;
	_ =	strace $0x90000046  }
0xba: {  	s29 =	simm.s32 $0x9;
	_ =	strace $0x80000048  }
0xbb: {  	_ =	swait.ge [sflag:s29], $0x1  }
0xbc: {  	[sflag:s29] =	ssyncadd.s32 $0xFFFFFFFF  }
0xbd: {  	_ =	strace $0x90000048  }
0xbe: {  	_ =	sfence  }
0xbf: {  	s30 =	sld [smem:$0x0];
	_ =	sdelay $0x2  }
0xc0: {  	s31 =	sshll.u32 s1, $0xD;
	s1 =	sshrl.u32 s1, $0x2  }
0xc1: {  	s3 =	sand.u32 $0x4000, s31;
	s1 =	sadd.s32 s1, s30  }
0xc2: {  	s0 =	sor.u32 s3, s0;
	s1 =	sshll.u32 s1, $0x11  }
0xc3: {  	s0 =	sor.u32 s1, s0  }
0xc4: {  	s0 =	sadd.s32 $0x8F2B, s0  }
0xc5: {  	[sflag:s0] =	ssyncadd.remote.s32 $0x1  }
0xc6: {  	_ =	sfence.sel $0xFFFF  }
0xc7: {  	[dreg:$0x0] =	wrdreg $0xFFFFFFFF;
	(pc) =	sbr.abs _section_cstart, $3  }
0xc8: {  	[dreg:$0x1] =	wrdreg $0xFFFFFFFF  }
0xc9: {  	_ =	task.clear_ibuf [dreg:s11], $0x2FFFF;
	_ =	strace $0x9FFFFFFF  }
0xca: {  	(tm) =	ssettm $0x7FFFFFFF  }
0xcb: {  	_ =	shalt  }
tec
execute0_lowered:
.L_overlay_start_1:
0x0: {  	(tag) =	ssettag $0x1  }
0x1: {  	s5 =	rddreg [dreg:$0x0]  }
0x2: {  	s7 =	rddreg [dreg:$0x1]  }
0x3: {  	s9 =	rddreg [dreg:$0x2]  }
0x4: {  	s1 =	rddreg [dreg:$0x3];
	s2 =	srdreg.scid  }
0x5: {  	s3 =	rddreg [dreg:$0x4];
	s0 =	stileid.u32;
	s18 =	sand.u32 $0x1, s2  }
0x6: {  	s15 =	rddreg [dreg:$0x5];
	s6 =	sshll.u32 s0, $0x8;
	s8 =	sshll.u32 s18, $0x7  }
0x7: {  	s4 =	simm.s32 $0x0;
	s2 =	rddreg [dreg:$0x6];
	s16 =	sor.u32 s8, s6  }
0x8: {  	[smem:$0x7FF] =	sst s4;
	s10 =	sshrl.u32 s16, $0x3  }
0x9: {  	_ =	strace $0x80000047;
	s6 =	sadd.s32 s5, s10;
	s5 =	simm.s32 $0x4  }
0xa: {  	[tilespmem:s4], [sflag:$0x4] =	stream.linear.gather [hbm4b:s6+s4], $0x80, $0x38;
	[tilespmem:$0xC180] =	vst v63  }
0xb: {  	_ =	swait.ge [sflag:s5], $0x80  }
0xc: {  	[sflag:s5] =	ssyncset.done $0x0  }
0xd: {  	s8 =	simm.s32 $0x80;
	s7 =	sadd.s32 s7, s10;
	[sflag:s5] =	ssyncadd.s32 $0xFFFFFF80  }
0xe: {  	[tilespmem:s8], [sflag:$0x4] =	stream.linear.gather [hbm4b:s7+s4], $0x80, $0x38;
	[tilespmem:$0xC180] =	vst v63  }
0xf: {  	_ =	swait.ge [sflag:s5], $0x80  }
0x10: {  	[sflag:s5] =	ssyncset.done $0x0  }
0x11: {  	s9 =	sadd.s32 s9, s10;
	s10 =	simm.s32 $0x100;
	[sflag:s5] =	ssyncadd.s32 $0xFFFFFF80  }
0x12: {  	[tilespmem:s10], [sflag:$0x4] =	stream.linear.gather [hbm4b:s9+s4], $0x80, $0x38;
	[tilespmem:$0xC180] =	vst v63  }
0x13: {  	_ =	swait.ge [sflag:s5], $0x80  }
0x14: {  	[sflag:s5] =	ssyncset.done $0x0  }
0x15: {  	s11 =	simm.s32 $0x180;
	[sflag:s5] =	ssyncadd.s32 $0xFFFFFF80  }
0x16: {  	[tilespmem:s11], [sflag:$0x1] =	stream.indirect.gather [hbm4b:s1+s8], $0x80, s4, s8, $0xb8;
	[tilespmem:$0xC180] =	vst v63  }
0x17: {  	s12 =	simm.s32 $0x4180  }
0x18: {  	[tilespmem:s12], [sflag:$0x2] =	stream.indirect.gather [hbm4b:s3+s8], $0x80, s8, s8, $0xb8;
	[tilespmem:$0xC180] =	vst v63  }
0x19: {  	s13 =	simm.s32 $0x8180;
	s14 =	simm.s32 $0x1  }
0x1a: {  	[tilespmem:s13], [sflag:$0x3] =	stream.indirect.gather [hbm4b:s3+s8], $0x80, s10, s8, $0xb8;
	[tilespmem:$0xC180] =	vst v63  }
0x1b: {  	s16 =	sshll.u32 s16, $0x4;
	_ =	swait.ge [sflag:s14], $0x4000  }
0x1c: {  	s19 =	sadd.s32 s16, s15;
	[sflag:s14] =	ssyncset.done $0x0  }
0x1d: {  	s15 =	sadd.s32 $0x1800, s19;
	[sflag:s14] =	ssyncadd.s32 $0xFFFFC000  }
0x1e: {  	[hbm4b:s15+s4] =	stream.linear.scatter [tilespmem:s11], [sflag:$0x4], $0x4000, $0x38;
	[tilespmem:$0xC180] =	vst v63  }
0x1f: {  	_ =	swait.ge [sflag:s5], $0x4000  }
0x20: {  	[sflag:s5] =	ssyncset.done $0x0  }
0x21: {  	s16 =	simm.s32 $0x2;
	[sflag:s5] =	ssyncadd.s32 $0xFFFFC000  }
0x22: {  	_ =	swait.ge [sflag:s16], $0x4000  }
0x23: {  	[sflag:s16] =	ssyncset.done $0x0  }
0x24: {  	s20 =	ssub.s32 $0x2, s18;
	s17 =	sadd.s32 $0x11800, s19;
	[sflag:s16] =	ssyncadd.s32 $0xFFFFC000  }
0x25: {  	[hbm4b:s17+s4] =	stream.linear.scatter [tilespmem:s12], [sflag:$0x4], $0x4000, $0x38;
	[tilespmem:$0xC180] =	vst v63  }
0x26: {  	s21 =	sshrl.u32 s20, $0x1;
	_ =	swait.ge [sflag:s5], $0x4000  }
0x27: {  	s20 =	ssub.s32 s20, s21;
	[sflag:s5] =	ssyncset.done $0x0  }
0x28: {  	s18 =	simm.s32 $0x3;
	s20 =	smax.u32 s20, $0x1;
	[sflag:s5] =	ssyncadd.s32 $0xFFFFC000  }
0x29: {  	p0 =	sne.s32 s20, $0x1;
	_ =	swait.ge [sflag:s18], $0x4000  }
.Ltmp0:
0x2a: {  	[sflag:s18] =	ssyncset.done $0x0;
	(pc) =	sbr.rel @!p0 .LBB2_2-.Ltmp0, $4  }
0x2b: {  	s19 =	sadd.s32 $0x21800, s19;
	[sflag:s18] =	ssyncadd.s32 $0xFFFFC000  }
0x2c: {  	[hbm4b:s19+s4] =	stream.linear.scatter [tilespmem:s13], [sflag:$0x4], $0x4000, $0x38;
	[tilespmem:$0xC180] =	vst v63  }
0x2d: {  	_ =	swait.ge [sflag:s5], $0x4000  }
0x2e: {  	s20 =	sadd.s32 $0xFFFFFFFF, s20;
	[sflag:s5] =	ssyncset.done $0x0  }
.LBB2_1:
0x2f: {  	p0 =	sne.s32 s20, $0x1;
	s20 =	sadd.s32 $0xFFFFFFFF, s20;
	[sflag:s5] =	ssyncadd.s32 $0xFFFFC000  }
0x30: {  	[tilespmem:s4], [sflag:$0x4] =	stream.linear.gather [hbm4b:s6+s4], $0x80, $0x38;
	[tilespmem:$0xC180] =	vst v63  }
0x31: {  	_ =	swait.ge [sflag:s5], $0x80  }
0x32: {  	[sflag:s5] =	ssyncset.done $0x0  }
0x33: {  	[sflag:s5] =	ssyncadd.s32 $0xFFFFFF80  }
0x34: {  	[tilespmem:s8], [sflag:$0x4] =	stream.linear.gather [hbm4b:s7+s4], $0x80, $0x38;
	[tilespmem:$0xC180] =	vst v63  }
0x35: {  	_ =	swait.ge [sflag:s5], $0x80  }
0x36: {  	[sflag:s5] =	ssyncset.done $0x0  }
0x37: {  	[sflag:s5] =	ssyncadd.s32 $0xFFFFFF80  }
0x38: {  	[tilespmem:s10], [sflag:$0x4] =	stream.linear.gather [hbm4b:s9+s4], $0x80, $0x38;
	[tilespmem:$0xC180] =	vst v63  }
0x39: {  	_ =	swait.ge [sflag:s5], $0x80  }
0x3a: {  	[sflag:s5] =	ssyncset.done $0x0  }
0x3b: {  	[sflag:s5] =	ssyncadd.s32 $0xFFFFFF80  }
0x3c: {  	[tilespmem:s11], [sflag:$0x1] =	stream.indirect.gather [hbm4b:s1+s8], $0x80, s4, s8, $0xb8;
	[tilespmem:$0xC180] =	vst v63  }
0x3d: {  	_ = 	snop  }
0x3e: {  	[tilespmem:s12], [sflag:$0x2] =	stream.indirect.gather [hbm4b:s3+s8], $0x80, s8, s8, $0xb8;
	[tilespmem:$0xC180] =	vst v63  }
0x3f: {  	_ = 	snop  }
0x40: {  	[tilespmem:s13], [sflag:$0x3] =	stream.indirect.gather [hbm4b:s3+s8], $0x80, s10, s8, $0xb8;
	[tilespmem:$0xC180] =	vst v63  }
0x41: {  	_ =	swait.ge [sflag:s14], $0x4000  }
0x42: {  	[sflag:s14] =	ssyncset.done $0x0  }
0x43: {  	[sflag:s14] =	ssyncadd.s32 $0xFFFFC000  }
0x44: {  	[hbm4b:s15+s4] =	stream.linear.scatter [tilespmem:s11], [sflag:$0x4], $0x4000, $0x38;
	[tilespmem:$0xC180] =	vst v63  }
0x45: {  	_ =	swait.ge [sflag:s5], $0x4000  }
0x46: {  	[sflag:s5] =	ssyncset.done $0x0  }
0x47: {  	[sflag:s5] =	ssyncadd.s32 $0xFFFFC000  }
0x48: {  	_ =	swait.ge [sflag:s16], $0x4000  }
0x49: {  	[sflag:s16] =	ssyncset.done $0x0  }
0x4a: {  	[sflag:s16] =	ssyncadd.s32 $0xFFFFC000  }
0x4b: {  	[hbm4b:s17+s4] =	stream.linear.scatter [tilespmem:s12], [sflag:$0x4], $0x4000, $0x38;
	[tilespmem:$0xC180] =	vst v63  }
0x4c: {  	_ =	swait.ge [sflag:s5], $0x4000  }
0x4d: {  	[sflag:s5] =	ssyncset.done $0x0  }
0x4e: {  	[sflag:s5] =	ssyncadd.s32 $0xFFFFC000  }
0x4f: {  	_ =	swait.ge [sflag:s18], $0x4000  }
.Ltmp1:
0x50: {  	[sflag:s18] =	ssyncset.done $0x0;
	(pc) =	sbr.rel @p0 .LBB2_1-.Ltmp1, $4  }
0x51: {  	[sflag:s18] =	ssyncadd.s32 $0xFFFFC000  }
0x52: {  	[hbm4b:s19+s4] =	stream.linear.scatter [tilespmem:s13], [sflag:$0x4], $0x4000, $0x38;
	[tilespmem:$0xC180] =	vst v63  }
0x53: {  	_ =	swait.ge [sflag:s5], $0x4000  }
0x54: {  	[sflag:s5] =	ssyncset.done $0x0  }
.LBB2_2:
0x55: {  	[sflag:s5] =	ssyncadd.s32 $0xFFFFC000  }
0x56: {  	_ =	sfence.sel $0x180000  }
0x57: {  	[bflag:$0x0] =	sbarrier.arrive $0xFFFF  }
0x58: {  	p0 =	sne.s32 s0, $0x0;
	_ =	strace $0x90000047  }
0x59: {  	s0 =	sadd.s32 @!p0 $0x100000, s2;
	[bflag:$0x2] =	sbarrier.arrive $0xFFFF  }
0x5a: {  	[sflag:s0] =	ssyncadd.tile.s32 @!p0 $0x1;
	_ =	shalt  }
.Lfunc_end2:
_tile_overlayer_lowered:
.L_overlay_start_2:
0x5b: {  	(tag) =	ssettag $0x2  }
0x5c: {  	s0 =	rddreg [dreg:$0x0];
	s2 =	stileid.u32  }
0x5d: {  	s1 =	rddreg [dreg:$0x1];
	p0 =	sne.s32 s2, $0x0  }
0x5e: {  	s3 =	rddreg [dreg:$0x2];
	[bflag:$0x3] =	sbarrier.arrive $0xFFFF;
	s2 =	simm.s32 @!p0 $0x1C04  }
0x5f: {  	[timem:s3], [sflag:s2] =	dma.local @!p0 [hbm:s0], s1  }
0x60: {  	s0 =	simm.s32 @!p0 $0x4  }
0x61: {  	_ =	swait.ge @!p0 [sflag:s0], s1  }
0x62: {  	s1 =	ssub.s32 @!p0 $0x0, s1;
	[sflag:s0] =	ssyncset.done @!p0 $0x0  }
0x63: {  	[sflag:s0] =	ssyncadd.s32 @!p0 s1  }
0x64: {  	[bflag:$0x3] =	sbarrier.arrive $0xFFFF  }
0x65: {  	_ =	shalt  }

</sc_bundles>
